<compile_context>
chip_gen: v7x
topology: tpu7x:2x2x1
jax: 0.10.2.dev20260603
libtpu: 0.0.44.dev20260713+nightly
codegen_flags: <defaults>
</compile_context>

<pallas_src>
import functools

import jax
import jax.numpy as jnp
from jax import lax
from jax.experimental import pallas as pl
from jax.experimental.pallas import tpu as pltpu
from jax.experimental.pallas import tpu_sc as plsc

N_NODES = 10000
N_EDGES = 320000
D = 128
D_EDGE = 16

NC = 2
NS = 16
NW = NC * NS
CH = 128
NCH = 79
EPT = NCH * CH
EPAD = NW * EPT
NPAD = 10112
ZROWS = NPAD // NS
OROWS = NPAD // NS

_mesh = plsc.VectorSubcoreMesh(core_axis_name="c", subcore_axis_name="s")



def _deg_body(dstp, ones_h, z128, dout, idx_v, ones_v, acc):
    c = lax.axis_index("c")
    s = lax.axis_index("s")
    wid = c * NS + s
    pltpu.sync_copy(z128, acc.at[pl.ds(s * ZROWS, ZROWS)])
    pltpu.sync_copy(ones_h, ones_v)
    pltpu.sync_copy(dstp.at[wid], idx_v)
    plsc.subcore_barrier()

    def body(j, carry):
        pltpu.sync_copy(ones_v, acc.at[idx_v.at[j]], add=True)
        return carry

    lax.fori_loop(0, NCH, body, 0)
    plsc.subcore_barrier()
    sl = pl.ds(s * OROWS, OROWS)
    pltpu.sync_copy(acc.at[sl], dout.at[c].at[sl])


_deg_call = pl.kernel(
    _deg_body,
    out_type=jax.ShapeDtypeStruct((NC, NPAD, D), jnp.float32),
    mesh=_mesh,
    scratch_types=[
        pltpu.VMEM((NCH, CH), jnp.int32),
        pltpu.VMEM((CH, D), jnp.float32),
        pltpu.VMEM_SHARED((NPAD, D), jnp.float32),
    ],
)


def _agg_body(g_h, srcp, dstp, z128, out, sidx, didx, rows, acc):
    c = lax.axis_index("c")
    s = lax.axis_index("s")
    wid = c * NS + s
    pltpu.sync_copy(z128, acc.at[pl.ds(s * ZROWS, ZROWS)])
    pltpu.sync_copy(srcp.at[wid], sidx)
    pltpu.sync_copy(dstp.at[wid], didx)
    plsc.subcore_barrier()

    def body(j, carry):
        pltpu.sync_copy(g_h.at[sidx.at[j]], rows)
        pltpu.sync_copy(rows, acc.at[didx.at[j]], add=True)
        return carry

    lax.fori_loop(0, NCH, body, 0)
    plsc.subcore_barrier()
    sl = pl.ds(s * OROWS, OROWS)
    pltpu.sync_copy(acc.at[sl], out.at[c].at[sl])


_agg_call = pl.kernel(
    _agg_body,
    out_type=jax.ShapeDtypeStruct((NC, NPAD, D), jnp.float32),
    mesh=_mesh,
    scratch_types=[
        pltpu.VMEM((NCH, CH), jnp.int32),
        pltpu.VMEM((NCH, CH), jnp.int32),
        pltpu.VMEM((CH, D), jnp.float32),
        pltpu.VMEM_SHARED((NPAD, D), jnp.float32),
    ],
)


def _egather_body(a_h, b_h, srcp, dstp, ga, gb, sidx, didx, bufa, bufb,
                  sema, semb):
    c = lax.axis_index("c")
    s = lax.axis_index("s")
    wid = c * NS + s
    pltpu.sync_copy(srcp.at[wid], sidx)
    pltpu.sync_copy(dstp.at[wid], didx)

    def body(j, carry):
        ca = pltpu.async_copy(a_h.at[sidx.at[j]], bufa, sema)
        cb = pltpu.async_copy(b_h.at[didx.at[j]], bufb, semb)
        ca.wait()
        cb.wait()
        base = wid * EPT + j * CH
        pltpu.sync_copy(bufa, ga.at[pl.ds(base, CH)])
        pltpu.sync_copy(bufb, gb.at[pl.ds(base, CH)])
        return carry

    lax.fori_loop(0, NCH, body, 0)


_egather_call = pl.kernel(
    _egather_body,
    out_type=(
        jax.ShapeDtypeStruct((EPAD, D), jnp.float32),
        jax.ShapeDtypeStruct((EPAD, D), jnp.float32),
    ),
    mesh=_mesh,
    scratch_types=[
        pltpu.VMEM((NCH, CH), jnp.int32),
        pltpu.VMEM((NCH, CH), jnp.int32),
        pltpu.VMEM((CH, D), jnp.float32),
        pltpu.VMEM((CH, D), jnp.float32),
        pltpu.SemaphoreType.DMA,
        pltpu.SemaphoreType.DMA,
    ],
)



BN = 2000
BE = 512


def _tc1_body(x_ref, w1_ref, d0_ref, d1_ref, g1_ref, dinv_ref):
    deg = 1.0 + d0_ref[0, :, 0:1] + d1_ref[0, :, 0:1]
    dinv = lax.rsqrt(deg)
    h = jnp.dot(x_ref[...], w1_ref[...], preferred_element_type=jnp.float32)
    g1_ref[...] = h * dinv
    dinv_ref[...] = jnp.broadcast_to(dinv, (BN, 16))


def _tc1(x, w1, dpart):
    return pl.pallas_call(
        _tc1_body,
        grid=(N_NODES // BN,),
        in_specs=[
            pl.BlockSpec((BN, D), lambda i: (i, 0)),
            pl.BlockSpec((D, D), lambda i: (0, 0)),
            pl.BlockSpec((1, BN, D), lambda i: (0, i, 0)),
            pl.BlockSpec((1, BN, D), lambda i: (1, i, 0)),
        ],
        out_specs=[
            pl.BlockSpec((BN, D), lambda i: (i, 0)),
            pl.BlockSpec((BN, 16), lambda i: (i, 0)),
        ],
        out_shape=[
            jax.ShapeDtypeStruct((N_NODES, D), jnp.float32),
            jax.ShapeDtypeStruct((N_NODES, 16), jnp.float32),
        ],
    )(x, w1, dpart, dpart)


def _tc2_body(sa_ref, sb_ref, g1_ref, dinv_ref, b1_ref, w2_ref, g2_ref):
    dinv = dinv_ref[:, 0:1]
    x1 = jax.nn.relu(dinv * (sa_ref[0] + sb_ref[0] + g1_ref[...])
                     + b1_ref[...][None, :])
    g2_ref[...] = jnp.dot(x1, w2_ref[...],
                          preferred_element_type=jnp.float32) * dinv


def _tc2(s1, g1, dinv, b1, w2):
    return pl.pallas_call(
        _tc2_body,
        grid=(N_NODES // BN,),
        in_specs=[
            pl.BlockSpec((1, BN, D), lambda i: (0, i, 0)),
            pl.BlockSpec((1, BN, D), lambda i: (1, i, 0)),
            pl.BlockSpec((BN, D), lambda i: (i, 0)),
            pl.BlockSpec((BN, 16), lambda i: (i, 0)),
            pl.BlockSpec((D,), lambda i: (0,)),
            pl.BlockSpec((D, D), lambda i: (0, 0)),
        ],
        out_specs=pl.BlockSpec((BN, D), lambda i: (i, 0)),
        out_shape=jax.ShapeDtypeStruct((N_NODES, D), jnp.float32),
    )(s1, s1, g1, dinv, b1, w2)


def _tc3_body(sa_ref, sb_ref, g2_ref, dinv_ref, b2_ref, wp1_ref,
              a_ref, b_ref):
    dinv = dinv_ref[:, 0:1]
    x2 = dinv * (sa_ref[0] + sb_ref[0] + g2_ref[...]) + b2_ref[...][None, :]
    a_ref[...] = jnp.dot(x2, wp1_ref[0:D, :],
                         preferred_element_type=jnp.float32)
    b_ref[...] = jnp.dot(x2, wp1_ref[D:2 * D, :],
                         preferred_element_type=jnp.float32)


def _tc3(s2, g2, dinv, b2, wp1):
    return pl.pallas_call(
        _tc3_body,
        grid=(N_NODES // BN,),
        in_specs=[
            pl.BlockSpec((1, BN, D), lambda i: (0, i, 0)),
            pl.BlockSpec((1, BN, D), lambda i: (1, i, 0)),
            pl.BlockSpec((BN, D), lambda i: (i, 0)),
            pl.BlockSpec((BN, 16), lambda i: (i, 0)),
            pl.BlockSpec((D,), lambda i: (0,)),
            pl.BlockSpec((2 * D + D_EDGE, D), lambda i: (0, 0)),
        ],
        out_specs=[
            pl.BlockSpec((BN, D), lambda i: (i, 0)),
            pl.BlockSpec((BN, D), lambda i: (i, 0)),
        ],
        out_shape=[
            jax.ShapeDtypeStruct((N_NODES, D), jnp.float32),
            jax.ShapeDtypeStruct((N_NODES, D), jnp.float32),
        ],
    )(s2, s2, g2, dinv, b2, wp1)


def _tc4_body(ga_ref, gb_ref, ea_ref, wp1b_ref, bp1_ref, wp2_ref, bp2_ref,
              out_ref):
    h = jax.nn.relu(ga_ref[...] + gb_ref[...]
                    + jnp.dot(ea_ref[...], wp1b_ref[...],
                              preferred_element_type=jnp.float32)
                    + bp1_ref[...][None, :])
    o = jnp.dot(h, wp2_ref[...], preferred_element_type=jnp.float32)
    out_ref[...] = o[:, 0] + bp2_ref[0]


def _tc4(ga, gb, ea, wp1b, bp1, wp2, bp2):
    return pl.pallas_call(
        _tc4_body,
        grid=(EPAD // BE,),
        in_specs=[
            pl.BlockSpec((BE, D), lambda i: (i, 0)),
            pl.BlockSpec((BE, D), lambda i: (i, 0)),
            pl.BlockSpec((BE, D_EDGE), lambda i: (i, 0)),
            pl.BlockSpec((D_EDGE, D), lambda i: (0, 0)),
            pl.BlockSpec((D,), lambda i: (0,)),
            pl.BlockSpec((D, 1), lambda i: (0, 0)),
            pl.BlockSpec((1,), lambda i: (0,)),
        ],
        out_specs=pl.BlockSpec((BE,), lambda i: (i,)),
        out_shape=jax.ShapeDtypeStruct((EPAD,), jnp.float32),
    )(ga, gb, ea, wp1b, bp1, wp2, bp2)



def kernel(x, edge_index, edge_attr, W1, b1, W2, b2, Wp1, bp1, Wp2, bp2):
    ei = edge_index.astype(jnp.int32)
    src, dst = ei[0], ei[1]
    npad = EPAD - N_EDGES
    zpad = jnp.zeros((npad,), jnp.int32)
    src_g = jnp.concatenate([src, zpad]).reshape(NW, NCH, CH)
    dst_g = jnp.concatenate([dst, zpad]).reshape(NW, NCH, CH)
    dst_s = jnp.concatenate([dst, jnp.full((npad,), N_NODES, jnp.int32)]
                            ).reshape(NW, NCH, CH)
    ea_pad = jnp.concatenate(
        [edge_attr, jnp.zeros((npad, D_EDGE), jnp.float32)])

    ones_h = jnp.ones((CH, D), jnp.float32)
    z128 = jnp.zeros((ZROWS, D), jnp.float32)

    dpart = _deg_call(dst_s, ones_h, z128)
    g1, dinv = _tc1(x, W1, dpart)
    s1 = _agg_call(g1, src_g, dst_s, z128)
    g2 = _tc2(s1, g1, dinv, b1, W2)
    s2 = _agg_call(g2, src_g, dst_s, z128)
    a, b = _tc3(s2, g2, dinv, b2, Wp1)
    ga, gb = _egather_call(a, b, src_g, dst_g)
    out = _tc4(ga, gb, ea_pad, Wp1[2 * D:, :], bp1, Wp2, bp2)
    return out[:N_EDGES]

# --- scband reference (transcript-rebuilt; emitter-appended) ---
"""Pipeline reference for scband-improved-gnn-82429012345509 (READ-ONLY COPY).

The authoritative reference and input builder live on the scoring server;
editing this copy changes nothing except your own understanding.
"""

import jax, jax.numpy as jnp
import numpy as np

N_NODES = 10000
N_EDGES = 320000
D_FEAT = 128
D_EDGE = 16
HIDDEN = 128


def setup_inputs(seed: int = 0) -> dict:
    key = jax.random.key(seed)
    ks = jax.random.split(key, 12)
    x = jax.random.normal(ks[0], (N_NODES, D_FEAT), dtype=jnp.float32)
    edge_index = jax.random.randint(ks[1], (2, N_EDGES), 0, N_NODES, dtype=jnp.int64)
    edge_attr = jax.random.normal(ks[2], (N_EDGES, D_EDGE), dtype=jnp.float32)
    # GCNConv params (glorot-ish scaling)
    W1 = jax.random.normal(ks[3], (D_FEAT, HIDDEN), dtype=jnp.float32) * (1.0 / np.sqrt(D_FEAT))
    b1 = jnp.zeros((HIDDEN,), dtype=jnp.float32)
    W2 = jax.random.normal(ks[4], (HIDDEN, HIDDEN), dtype=jnp.float32) * (1.0 / np.sqrt(HIDDEN))
    b2 = jnp.zeros((HIDDEN,), dtype=jnp.float32)
    # edge predictor MLP: Linear(2*H + d_edge -> H), ReLU, Linear(H -> 1)
    in_p = 2 * HIDDEN + D_EDGE
    Wp1 = jax.random.normal(ks[5], (in_p, HIDDEN), dtype=jnp.float32) * (1.0 / np.sqrt(in_p))
    bp1 = jnp.zeros((HIDDEN,), dtype=jnp.float32)
    Wp2 = jax.random.normal(ks[6], (HIDDEN, 1), dtype=jnp.float32) * (1.0 / np.sqrt(HIDDEN))
    bp2 = jnp.zeros((1,), dtype=jnp.float32)
    return {"x": x, "edge_index": edge_index, "edge_attr": edge_attr,
            "W1": W1, "b1": b1, "W2": W2, "b2": b2,
            "Wp1": Wp1, "bp1": bp1, "Wp2": Wp2, "bp2": bp2}


def _gcn_conv(x, edge_index, W, b):
    # PyG GCNConv: add self-loops, symmetric normalization, scatter-add aggregation
    N = x.shape[0]
    loop = jnp.arange(N, dtype=edge_index.dtype)
    src = jnp.concatenate([edge_index[0], loop])
    dst = jnp.concatenate([edge_index[1], loop])
    h = x @ W
    deg = jnp.zeros((N,), dtype=x.dtype).at[dst].add(1.0)
    deg_inv_sqrt = jnp.where(deg > 0, jax.lax.rsqrt(jnp.maximum(deg, 1e-12)), 0.0)
    norm = deg_inv_sqrt[src] * deg_inv_sqrt[dst]
    msg = h[src] * norm[:, None]
    out = jnp.zeros_like(h).at[dst].add(msg)
    return out + b


def reference(x, edge_index, edge_attr, W1, b1, W2, b2, Wp1, bp1, Wp2, bp2):
    x1 = jax.nn.relu(_gcn_conv(x, edge_index, W1, b1))
    x2 = _gcn_conv(x1, edge_index, W2, b2)
    edge_features = jnp.concatenate([x2[edge_index[0]], x2[edge_index[1]], edge_attr], axis=1)
    h = jax.nn.relu(edge_features @ Wp1 + bp1)
    out = h @ Wp2 + bp2
    return out.squeeze(-1)

if __name__ == "__main__":
    import jax
    _d = setup_inputs()
    print(jax.jit(kernel)(*tuple(_d.values())))

</pallas_src>

<mosaic_0001>
#map = affine_map<(d0, d1) -> (0, 0)>
#map1 = affine_map<(d0, d1) -> (0, 0, 0)>
module attributes {stable_mosaic.version = 14 : i64} {
  func.func @_agg_body(%arg0: i32, %arg1: i32, %arg2: memref<10000x128xf32, #tpu.memory_space<hbm>>, %arg3: memref<32x79x128xi32, #tpu.memory_space<hbm>>, %arg4: memref<32x79x128xi32, #tpu.memory_space<hbm>>, %arg5: memref<632x128xf32, #tpu.memory_space<hbm>>, %arg6: memref<2x10112x128xf32, #tpu.memory_space<hbm>>, %arg7: memref<79x128xi32, #tpu.memory_space<vmem>>, %arg8: memref<79x128xi32, #tpu.memory_space<vmem>>, %arg9: memref<128x128xf32, #tpu.memory_space<vmem>>, %arg10: memref<10112x128xf32, #tpu.memory_space<vmem_shared>>) attributes {dimension_semantics = [#tpu.dimension_semantics<core_parallel>, #tpu.dimension_semantics<subcore_parallel>], iteration_bounds = array<i64: 2, 16>, scalar_prefetch = 0 : i64, scratch_operands = 4 : i64, tpu.core_type = #tpu.core_type<sc_vector_subcore>, window_params = [{transform_indices = #map}, {transform_indices = #map1}, {transform_indices = #map1}, {transform_indices = #map}, {transform_indices = #map1}]} {
    %mul3A = arith.constant 16 : i32
    %mul3A_0 = arith.muli %arg0, %mul3A : i32
    %add3A = arith.addi %mul3A_0, %arg1 : i32
    %mul3A_1 = arith.constant 632 : i32
    %mul3A_2 = arith.muli %arg1, %mul3A_1 : i32
    "tpu.region"() ({
      %run_scoped3A = tpu.sem_alloc : memref<!tpu.dma_semaphore, #tpu.memory_space<semaphore_mem>>
      %dma_start3A = arith.constant 0 : i32
      %dma_start3A_11 = tpu.memref_slice %arg10[%mul3A_2, %dma_start3A] : memref<10112x128xf32, #tpu.memory_space<vmem_shared>> -> memref<632x128xf32, #tpu.memory_space<vmem_shared>>
      tpu.enqueue_dma source(%arg5 : memref<632x128xf32, #tpu.memory_space<hbm>>) target(%dma_start3A_11 : memref<632x128xf32, #tpu.memory_space<vmem_shared>>) target_semaphore(%run_scoped3A : memref<!tpu.dma_semaphore, #tpu.memory_space<semaphore_mem>>)
      %dma_wait3A = arith.constant 0 : i32
      %dma_wait3A_12 = tpu.memref_slice %arg10[%mul3A_2, %dma_wait3A] : memref<10112x128xf32, #tpu.memory_space<vmem_shared>> -> memref<632x128xf32, #tpu.memory_space<vmem_shared>>
      tpu.wait_dma2 semaphore(%run_scoped3A : memref<!tpu.dma_semaphore, #tpu.memory_space<semaphore_mem>>) src(%arg5 : memref<632x128xf32, #tpu.memory_space<hbm>>) dst(%dma_wait3A_12 : memref<632x128xf32, #tpu.memory_space<vmem_shared>>)
      tpu.yield
    }) : () -> ()
    "tpu.region"() ({
      %run_scoped3A = tpu.sem_alloc : memref<!tpu.dma_semaphore, #tpu.memory_space<semaphore_mem>>
      %dma_start3A = arith.constant 0 : i32
      %dma_start3A_11 = arith.constant 0 : i32
      %dma_start3A_12 = tpu.memref_slice %arg3[%add3A, %dma_start3A, %dma_start3A_11] : memref<32x79x128xi32, #tpu.memory_space<hbm>> -> memref<1x79x128xi32, #tpu.memory_space<hbm>>
      %dma_start3A_13 = tpu.memref_squeeze %dma_start3A_12 : memref<1x79x128xi32, #tpu.memory_space<hbm>> -> memref<79x128xi32, #tpu.memory_space<hbm>>
      %dma_start3A_14 = arith.constant 0 : i32
      %dma_start3A_15 = arith.constant 0 : i32
      %dma_start3A_16 = tpu.memref_slice %arg3[%add3A, %dma_start3A_14, %dma_start3A_15] : memref<32x79x128xi32, #tpu.memory_space<hbm>> -> memref<1x79x128xi32, #tpu.memory_space<hbm>>
      %dma_start3A_17 = tpu.memref_squeeze %dma_start3A_16 : memref<1x79x128xi32, #tpu.memory_space<hbm>> -> memref<79x128xi32, #tpu.memory_space<hbm>>
      tpu.enqueue_dma source(%dma_start3A_17 : memref<79x128xi32, #tpu.memory_space<hbm>>) target(%arg7 : memref<79x128xi32, #tpu.memory_space<vmem>>) target_semaphore(%run_scoped3A : memref<!tpu.dma_semaphore, #tpu.memory_space<semaphore_mem>>)
      %dma_wait3A = arith.constant 0 : i32
      %dma_wait3A_18 = arith.constant 0 : i32
      %dma_wait3A_19 = tpu.memref_slice %arg3[%add3A, %dma_wait3A, %dma_wait3A_18] : memref<32x79x128xi32, #tpu.memory_space<hbm>> -> memref<1x79x128xi32, #tpu.memory_space<hbm>>
      %dma_wait3A_20 = tpu.memref_squeeze %dma_wait3A_19 : memref<1x79x128xi32, #tpu.memory_space<hbm>> -> memref<79x128xi32, #tpu.memory_space<hbm>>
      %dma_wait3A_21 = arith.constant 0 : i32
      %dma_wait3A_22 = arith.constant 0 : i32
      %dma_wait3A_23 = tpu.memref_slice %arg3[%add3A, %dma_wait3A_21, %dma_wait3A_22] : memref<32x79x128xi32, #tpu.memory_space<hbm>> -> memref<1x79x128xi32, #tpu.memory_space<hbm>>
      %dma_wait3A_24 = tpu.memref_squeeze %dma_wait3A_23 : memref<1x79x128xi32, #tpu.memory_space<hbm>> -> memref<79x128xi32, #tpu.memory_space<hbm>>
      tpu.wait_dma2 semaphore(%run_scoped3A : memref<!tpu.dma_semaphore, #tpu.memory_space<semaphore_mem>>) src(%dma_wait3A_24 : memref<79x128xi32, #tpu.memory_space<hbm>>) dst(%arg7 : memref<79x128xi32, #tpu.memory_space<vmem>>)
      tpu.yield
    }) : () -> ()
    "tpu.region"() ({
      %run_scoped3A = tpu.sem_alloc : memref<!tpu.dma_semaphore, #tpu.memory_space<semaphore_mem>>
      %dma_start3A = arith.constant 0 : i32
      %dma_start3A_11 = arith.constant 0 : i32
      %dma_start3A_12 = tpu.memref_slice %arg4[%add3A, %dma_start3A, %dma_start3A_11] : memref<32x79x128xi32, #tpu.memory_space<hbm>> -> memref<1x79x128xi32, #tpu.memory_space<hbm>>
      %dma_start3A_13 = tpu.memref_squeeze %dma_start3A_12 : memref<1x79x128xi32, #tpu.memory_space<hbm>> -> memref<79x128xi32, #tpu.memory_space<hbm>>
      %dma_start3A_14 = arith.constant 0 : i32
      %dma_start3A_15 = arith.constant 0 : i32
      %dma_start3A_16 = tpu.memref_slice %arg4[%add3A, %dma_start3A_14, %dma_start3A_15] : memref<32x79x128xi32, #tpu.memory_space<hbm>> -> memref<1x79x128xi32, #tpu.memory_space<hbm>>
      %dma_start3A_17 = tpu.memref_squeeze %dma_start3A_16 : memref<1x79x128xi32, #tpu.memory_space<hbm>> -> memref<79x128xi32, #tpu.memory_space<hbm>>
      tpu.enqueue_dma source(%dma_start3A_17 : memref<79x128xi32, #tpu.memory_space<hbm>>) target(%arg8 : memref<79x128xi32, #tpu.memory_space<vmem>>) target_semaphore(%run_scoped3A : memref<!tpu.dma_semaphore, #tpu.memory_space<semaphore_mem>>)
      %dma_wait3A = arith.constant 0 : i32
      %dma_wait3A_18 = arith.constant 0 : i32
      %dma_wait3A_19 = tpu.memref_slice %arg4[%add3A, %dma_wait3A, %dma_wait3A_18] : memref<32x79x128xi32, #tpu.memory_space<hbm>> -> memref<1x79x128xi32, #tpu.memory_space<hbm>>
      %dma_wait3A_20 = tpu.memref_squeeze %dma_wait3A_19 : memref<1x79x128xi32, #tpu.memory_space<hbm>> -> memref<79x128xi32, #tpu.memory_space<hbm>>
      %dma_wait3A_21 = arith.constant 0 : i32
      %dma_wait3A_22 = arith.constant 0 : i32
      %dma_wait3A_23 = tpu.memref_slice %arg4[%add3A, %dma_wait3A_21, %dma_wait3A_22] : memref<32x79x128xi32, #tpu.memory_space<hbm>> -> memref<1x79x128xi32, #tpu.memory_space<hbm>>
      %dma_wait3A_24 = tpu.memref_squeeze %dma_wait3A_23 : memref<1x79x128xi32, #tpu.memory_space<hbm>> -> memref<79x128xi32, #tpu.memory_space<hbm>>
      tpu.wait_dma2 semaphore(%run_scoped3A : memref<!tpu.dma_semaphore, #tpu.memory_space<semaphore_mem>>) src(%dma_wait3A_24 : memref<79x128xi32, #tpu.memory_space<hbm>>) dst(%arg8 : memref<79x128xi32, #tpu.memory_space<vmem>>)
      tpu.yield
    }) : () -> ()
    %barrier3A = arith.constant 0 : index
    tpu.barrier barrier_id(%barrier3A)
    %scan3A = arith.constant 0 : i32
    %scan3A_3 = arith.constant 0 : i32
    %scan3A_4 = arith.constant 79 : i32
    %scan3A_5 = arith.addi %scan3A_3, %scan3A_4 : i32
    %scan3A_6 = arith.constant 1 : i32
    scf.for %scan3A_11 = %scan3A_3 to %scan3A_5 step %scan3A_6  : i32 {
      "tpu.region"() ({
        %run_scoped3A = tpu.sem_alloc : memref<!tpu.dma_semaphore, #tpu.memory_space<semaphore_mem>>
        %dma_start3A = arith.constant 0 : i32
        %dma_start3A_12 = tpu.memref_slice %arg7[%scan3A_11, %dma_start3A] : memref<79x128xi32, #tpu.memory_space<vmem>> -> memref<1x128xi32, #tpu.memory_space<vmem>>
        %dma_start3A_13 = tpu.memref_squeeze %dma_start3A_12 : memref<1x128xi32, #tpu.memory_space<vmem>> -> memref<128xi32, #tpu.memory_space<vmem>>
        %dma_start3A_14 = arith.constant 0 : i32
        %dma_start3A_15 = arith.constant 0 : i32
        %dma_start3A_16 = tpu.memref_slice %arg2[%dma_start3A_14, %dma_start3A_15] : memref<10000x128xf32, #tpu.memory_space<hbm>> -> memref<10000x128xf32, #tpu.memory_space<hbm>>
        tpu.enqueue_indirect_dma source(%dma_start3A_16 : memref<10000x128xf32, #tpu.memory_space<hbm>>) target(%arg9 : memref<128x128xf32, #tpu.memory_space<vmem>>) offsets(%dma_start3A_13 : memref<128xi32, #tpu.memory_space<vmem>>) semaphore(%run_scoped3A : memref<!tpu.dma_semaphore, #tpu.memory_space<semaphore_mem>>)
        %dma_wait3A = arith.constant 0 : i32
        %dma_wait3A_17 = tpu.memref_slice %arg7[%scan3A_11, %dma_wait3A] : memref<79x128xi32, #tpu.memory_space<vmem>> -> memref<1x128xi32, #tpu.memory_space<vmem>>
        %dma_wait3A_18 = tpu.memref_squeeze %dma_wait3A_17 : memref<1x128xi32, #tpu.memory_space<vmem>> -> memref<128xi32, #tpu.memory_space<vmem>>
        %dma_wait3A_19 = arith.constant 0 : i32
        %dma_wait3A_20 = arith.constant 0 : i32
        %dma_wait3A_21 = tpu.memref_slice %arg2[%dma_wait3A_19, %dma_wait3A_20] : memref<10000x128xf32, #tpu.memory_space<hbm>> -> memref<10000x128xf32, #tpu.memory_space<hbm>>
        tpu.wait_indirect_dma semaphore(%run_scoped3A : memref<!tpu.dma_semaphore, #tpu.memory_space<semaphore_mem>>) src(%dma_wait3A_21 : memref<10000x128xf32, #tpu.memory_space<hbm>>) dst(%arg9 : memref<128x128xf32, #tpu.memory_space<vmem>>)
        tpu.yield
      }) : () -> ()
      "tpu.region"() ({
        %run_scoped3A = tpu.sem_alloc : memref<!tpu.dma_semaphore, #tpu.memory_space<semaphore_mem>>
        %dma_start3A = arith.constant 0 : i32
        %dma_start3A_12 = tpu.memref_slice %arg8[%scan3A_11, %dma_start3A] : memref<79x128xi32, #tpu.memory_space<vmem>> -> memref<1x128xi32, #tpu.memory_space<vmem>>
        %dma_start3A_13 = tpu.memref_squeeze %dma_start3A_12 : memref<1x128xi32, #tpu.memory_space<vmem>> -> memref<128xi32, #tpu.memory_space<vmem>>
        %dma_start3A_14 = arith.constant 0 : i32
        %dma_start3A_15 = arith.constant 0 : i32
        %dma_start3A_16 = tpu.memref_slice %arg10[%dma_start3A_14, %dma_start3A_15] : memref<10112x128xf32, #tpu.memory_space<vmem_shared>> -> memref<10112x128xf32, #tpu.memory_space<vmem_shared>>
        tpu.enqueue_indirect_dma source(%arg9 : memref<128x128xf32, #tpu.memory_space<vmem>>) target(%dma_start3A_16 : memref<10112x128xf32, #tpu.memory_space<vmem_shared>>) offsets(%dma_start3A_13 : memref<128xi32, #tpu.memory_space<vmem>>) semaphore(%run_scoped3A : memref<!tpu.dma_semaphore, #tpu.memory_space<semaphore_mem>>) {add = true}
        %dma_wait3A = arith.constant 0 : i32
        %dma_wait3A_17 = tpu.memref_slice %arg8[%scan3A_11, %dma_wait3A] : memref<79x128xi32, #tpu.memory_space<vmem>> -> memref<1x128xi32, #tpu.memory_space<vmem>>
        %dma_wait3A_18 = tpu.memref_squeeze %dma_wait3A_17 : memref<1x128xi32, #tpu.memory_space<vmem>> -> memref<128xi32, #tpu.memory_space<vmem>>
        %dma_wait3A_19 = arith.constant 0 : i32
        %dma_wait3A_20 = arith.constant 0 : i32
        %dma_wait3A_21 = tpu.memref_slice %arg10[%dma_wait3A_19, %dma_wait3A_20] : memref<10112x128xf32, #tpu.memory_space<vmem_shared>> -> memref<10112x128xf32, #tpu.memory_space<vmem_shared>>
        tpu.wait_indirect_dma semaphore(%run_scoped3A : memref<!tpu.dma_semaphore, #tpu.memory_space<semaphore_mem>>) src(%arg9 : memref<128x128xf32, #tpu.memory_space<vmem>>) dst(%dma_wait3A_21 : memref<10112x128xf32, #tpu.memory_space<vmem_shared>>)
        tpu.yield
      }) : () -> ()
    }
    %scan3A_7 = arith.constant 79 : i32
    %barrier3A_8 = arith.constant 0 : index
    tpu.barrier barrier_id(%barrier3A_8)
    %mul3A_9 = arith.constant 632 : i32
    %mul3A_10 = arith.muli %arg1, %mul3A_9 : i32
    "tpu.region"() ({
      %run_scoped3A = tpu.sem_alloc : memref<!tpu.dma_semaphore, #tpu.memory_space<semaphore_mem>>
      %dma_start3A = arith.constant 0 : i32
      %dma_start3A_11 = arith.constant 0 : i32
      %dma_start3A_12 = tpu.memref_slice %arg6[%arg0, %dma_start3A, %dma_start3A_11] : memref<2x10112x128xf32, #tpu.memory_space<hbm>> -> memref<1x10112x128xf32, #tpu.memory_space<hbm>>
      %dma_start3A_13 = tpu.memref_squeeze %dma_start3A_12 : memref<1x10112x128xf32, #tpu.memory_space<hbm>> -> memref<10112x128xf32, #tpu.memory_space<hbm>>
      %dma_start3A_14 = arith.constant 0 : i32
      %dma_start3A_15 = tpu.memref_slice %dma_start3A_13[%mul3A_10, %dma_start3A_14] : memref<10112x128xf32, #tpu.memory_space<hbm>> -> memref<632x128xf32, #tpu.memory_space<hbm>>
      %dma_start3A_16 = arith.constant 0 : i32
      %dma_start3A_17 = tpu.memref_slice %arg10[%mul3A_10, %dma_start3A_16] : memref<10112x128xf32, #tpu.memory_space<vmem_shared>> -> memref<632x128xf32, #tpu.memory_space<vmem_shared>>
      tpu.enqueue_dma source(%dma_start3A_17 : memref<632x128xf32, #tpu.memory_space<vmem_shared>>) target(%dma_start3A_15 : memref<632x128xf32, #tpu.memory_space<hbm>>) target_semaphore(%run_scoped3A : memref<!tpu.dma_semaphore, #tpu.memory_space<semaphore_mem>>)
      %dma_wait3A = arith.constant 0 : i32
      %dma_wait3A_18 = arith.constant 0 : i32
      %dma_wait3A_19 = tpu.memref_slice %arg6[%arg0, %dma_wait3A, %dma_wait3A_18] : memref<2x10112x128xf32, #tpu.memory_space<hbm>> -> memref<1x10112x128xf32, #tpu.memory_space<hbm>>
      %dma_wait3A_20 = tpu.memref_squeeze %dma_wait3A_19 : memref<1x10112x128xf32, #tpu.memory_space<hbm>> -> memref<10112x128xf32, #tpu.memory_space<hbm>>
      %dma_wait3A_21 = arith.constant 0 : i32
      %dma_wait3A_22 = tpu.memref_slice %dma_wait3A_20[%mul3A_10, %dma_wait3A_21] : memref<10112x128xf32, #tpu.memory_space<hbm>> -> memref<632x128xf32, #tpu.memory_space<hbm>>
      %dma_wait3A_23 = arith.constant 0 : i32
      %dma_wait3A_24 = tpu.memref_slice %arg10[%mul3A_10, %dma_wait3A_23] : memref<10112x128xf32, #tpu.memory_space<vmem_shared>> -> memref<632x128xf32, #tpu.memory_space<vmem_shared>>
      tpu.wait_dma2 semaphore(%run_scoped3A : memref<!tpu.dma_semaphore, #tpu.memory_space<semaphore_mem>>) src(%dma_wait3A_24 : memref<632x128xf32, #tpu.memory_space<vmem_shared>>) dst(%dma_wait3A_22 : memref<632x128xf32, #tpu.memory_space<hbm>>)
      tpu.yield
    }) : () -> ()
    return
  }
}

#map = affine_map<(d0, d1) -> (0, 0)>
#map1 = affine_map<(d0, d1) -> (0, 0, 0)>
module attributes {stable_mosaic.version = 14 : i64} {
  func.func @_agg_body(%arg0: i32, %arg1: i32, %arg2: memref<10000x128xf32, #tpu.memory_space<hbm>>, %arg3: memref<32x79x128xi32, #tpu.memory_space<hbm>>, %arg4: memref<32x79x128xi32, #tpu.memory_space<hbm>>, %arg5: memref<632x128xf32, #tpu.memory_space<hbm>>, %arg6: memref<2x10112x128xf32, #tpu.memory_space<hbm>>, %arg7: memref<79x128xi32, #tpu.memory_space<vmem>>, %arg8: memref<79x128xi32, #tpu.memory_space<vmem>>, %arg9: memref<128x128xf32, #tpu.memory_space<vmem>>, %arg10: memref<10112x128xf32, #tpu.memory_space<vmem_shared>>) attributes {dimension_semantics = [#tpu.dimension_semantics<core_parallel>, #tpu.dimension_semantics<subcore_parallel>], iteration_bounds = array<i64: 2, 16>, scalar_prefetch = 0 : i64, scratch_operands = 4 : i64, tpu.core_type = #tpu.core_type<sc_vector_subcore>, window_params = [{transform_indices = #map}, {transform_indices = #map1}, {transform_indices = #map1}, {transform_indices = #map}, {transform_indices = #map1}]} {
    %mul3A = arith.constant 16 : i32
    %mul3A_0 = arith.muli %arg0, %mul3A : i32
    %add3A = arith.addi %mul3A_0, %arg1 : i32
    %mul3A_1 = arith.constant 632 : i32
    %mul3A_2 = arith.muli %arg1, %mul3A_1 : i32
    "tpu.region"() ({
      %run_scoped3A = tpu.sem_alloc : memref<!tpu.dma_semaphore, #tpu.memory_space<semaphore_mem>>
      %dma_start3A = arith.constant 0 : i32
      %dma_start3A_11 = tpu.memref_slice %arg10[%mul3A_2, %dma_start3A] : memref<10112x128xf32, #tpu.memory_space<vmem_shared>> -> memref<632x128xf32, #tpu.memory_space<vmem_shared>>
      tpu.enqueue_dma source(%arg5 : memref<632x128xf32, #tpu.memory_space<hbm>>) target(%dma_start3A_11 : memref<632x128xf32, #tpu.memory_space<vmem_shared>>) target_semaphore(%run_scoped3A : memref<!tpu.dma_semaphore, #tpu.memory_space<semaphore_mem>>)
      %dma_wait3A = arith.constant 0 : i32
      %dma_wait3A_12 = tpu.memref_slice %arg10[%mul3A_2, %dma_wait3A] : memref<10112x128xf32, #tpu.memory_space<vmem_shared>> -> memref<632x128xf32, #tpu.memory_space<vmem_shared>>
      tpu.wait_dma2 semaphore(%run_scoped3A : memref<!tpu.dma_semaphore, #tpu.memory_space<semaphore_mem>>) src(%arg5 : memref<632x128xf32, #tpu.memory_space<hbm>>) dst(%dma_wait3A_12 : memref<632x128xf32, #tpu.memory_space<vmem_shared>>)
      tpu.yield
    }) : () -> ()
    "tpu.region"() ({
      %run_scoped3A = tpu.sem_alloc : memref<!tpu.dma_semaphore, #tpu.memory_space<semaphore_mem>>
      %dma_start3A = arith.constant 0 : i32
      %dma_start3A_11 = arith.constant 0 : i32
      %dma_start3A_12 = tpu.memref_slice %arg3[%add3A, %dma_start3A, %dma_start3A_11] : memref<32x79x128xi32, #tpu.memory_space<hbm>> -> memref<1x79x128xi32, #tpu.memory_space<hbm>>
      %dma_start3A_13 = tpu.memref_squeeze %dma_start3A_12 : memref<1x79x128xi32, #tpu.memory_space<hbm>> -> memref<79x128xi32, #tpu.memory_space<hbm>>
      %dma_start3A_14 = arith.constant 0 : i32
      %dma_start3A_15 = arith.constant 0 : i32
      %dma_start3A_16 = tpu.memref_slice %arg3[%add3A, %dma_start3A_14, %dma_start3A_15] : memref<32x79x128xi32, #tpu.memory_space<hbm>> -> memref<1x79x128xi32, #tpu.memory_space<hbm>>
      %dma_start3A_17 = tpu.memref_squeeze %dma_start3A_16 : memref<1x79x128xi32, #tpu.memory_space<hbm>> -> memref<79x128xi32, #tpu.memory_space<hbm>>
      tpu.enqueue_dma source(%dma_start3A_17 : memref<79x128xi32, #tpu.memory_space<hbm>>) target(%arg7 : memref<79x128xi32, #tpu.memory_space<vmem>>) target_semaphore(%run_scoped3A : memref<!tpu.dma_semaphore, #tpu.memory_space<semaphore_mem>>)
      %dma_wait3A = arith.constant 0 : i32
      %dma_wait3A_18 = arith.constant 0 : i32
      %dma_wait3A_19 = tpu.memref_slice %arg3[%add3A, %dma_wait3A, %dma_wait3A_18] : memref<32x79x128xi32, #tpu.memory_space<hbm>> -> memref<1x79x128xi32, #tpu.memory_space<hbm>>
      %dma_wait3A_20 = tpu.memref_squeeze %dma_wait3A_19 : memref<1x79x128xi32, #tpu.memory_space<hbm>> -> memref<79x128xi32, #tpu.memory_space<hbm>>
      %dma_wait3A_21 = arith.constant 0 : i32
      %dma_wait3A_22 = arith.constant 0 : i32
      %dma_wait3A_23 = tpu.memref_slice %arg3[%add3A, %dma_wait3A_21, %dma_wait3A_22] : memref<32x79x128xi32, #tpu.memory_space<hbm>> -> memref<1x79x128xi32, #tpu.memory_space<hbm>>
      %dma_wait3A_24 = tpu.memref_squeeze %dma_wait3A_23 : memref<1x79x128xi32, #tpu.memory_space<hbm>> -> memref<79x128xi32, #tpu.memory_space<hbm>>
      tpu.wait_dma2 semaphore(%run_scoped3A : memref<!tpu.dma_semaphore, #tpu.memory_space<semaphore_mem>>) src(%dma_wait3A_24 : memref<79x128xi32, #tpu.memory_space<hbm>>) dst(%arg7 : memref<79x128xi32, #tpu.memory_space<vmem>>)
      tpu.yield
    }) : () -> ()
    "tpu.region"() ({
      %run_scoped3A = tpu.sem_alloc : memref<!tpu.dma_semaphore, #tpu.memory_space<semaphore_mem>>
      %dma_start3A = arith.constant 0 : i32
      %dma_start3A_11 = arith.constant 0 : i32
      %dma_start3A_12 = tpu.memref_slice %arg4[%add3A, %dma_start3A, %dma_start3A_11] : memref<32x79x128xi32, #tpu.memory_space<hbm>> -> memref<1x79x128xi32, #tpu.memory_space<hbm>>
      %dma_start3A_13 = tpu.memref_squeeze %dma_start3A_12 : memref<1x79x128xi32, #tpu.memory_space<hbm>> -> memref<79x128xi32, #tpu.memory_space<hbm>>
      %dma_start3A_14 = arith.constant 0 : i32
      %dma_start3A_15 = arith.constant 0 : i32
      %dma_start3A_16 = tpu.memref_slice %arg4[%add3A, %dma_start3A_14, %dma_start3A_15] : memref<32x79x128xi32, #tpu.memory_space<hbm>> -> memref<1x79x128xi32, #tpu.memory_space<hbm>>
      %dma_start3A_17 = tpu.memref_squeeze %dma_start3A_16 : memref<1x79x128xi32, #tpu.memory_space<hbm>> -> memref<79x128xi32, #tpu.memory_space<hbm>>
      tpu.enqueue_dma source(%dma_start3A_17 : memref<79x128xi32, #tpu.memory_space<hbm>>) target(%arg8 : memref<79x128xi32, #tpu.memory_space<vmem>>) target_semaphore(%run_scoped3A : memref<!tpu.dma_semaphore, #tpu.memory_space<semaphore_mem>>)
      %dma_wait3A = arith.constant 0 : i32
      %dma_wait3A_18 = arith.constant 0 : i32
      %dma_wait3A_19 = tpu.memref_slice %arg4[%add3A, %dma_wait3A, %dma_wait3A_18] : memref<32x79x128xi32, #tpu.memory_space<hbm>> -> memref<1x79x128xi32, #tpu.memory_space<hbm>>
      %dma_wait3A_20 = tpu.memref_squeeze %dma_wait3A_19 : memref<1x79x128xi32, #tpu.memory_space<hbm>> -> memref<79x128xi32, #tpu.memory_space<hbm>>
      %dma_wait3A_21 = arith.constant 0 : i32
      %dma_wait3A_22 = arith.constant 0 : i32
      %dma_wait3A_23 = tpu.memref_slice %arg4[%add3A, %dma_wait3A_21, %dma_wait3A_22] : memref<32x79x128xi32, #tpu.memory_space<hbm>> -> memref<1x79x128xi32, #tpu.memory_space<hbm>>
      %dma_wait3A_24 = tpu.memref_squeeze %dma_wait3A_23 : memref<1x79x128xi32, #tpu.memory_space<hbm>> -> memref<79x128xi32, #tpu.memory_space<hbm>>
      tpu.wait_dma2 semaphore(%run_scoped3A : memref<!tpu.dma_semaphore, #tpu.memory_space<semaphore_mem>>) src(%dma_wait3A_24 : memref<79x128xi32, #tpu.memory_space<hbm>>) dst(%arg8 : memref<79x128xi32, #tpu.memory_space<vmem>>)
      tpu.yield
    }) : () -> ()
    %barrier3A = arith.constant 0 : index
    tpu.barrier barrier_id(%barrier3A)
    %scan3A = arith.constant 0 : i32
    %scan3A_3 = arith.constant 0 : i32
    %scan3A_4 = arith.constant 79 : i32
    %scan3A_5 = arith.addi %scan3A_3, %scan3A_4 : i32
    %scan3A_6 = arith.constant 1 : i32
    scf.for %scan3A_11 = %scan3A_3 to %scan3A_5 step %scan3A_6  : i32 {
      "tpu.region"() ({
        %run_scoped3A = tpu.sem_alloc : memref<!tpu.dma_semaphore, #tpu.memory_space<semaphore_mem>>
        %dma_start3A = arith.constant 0 : i32
        %dma_start3A_12 = tpu.memref_slice %arg7[%scan3A_11, %dma_start3A] : memref<79x128xi32, #tpu.memory_space<vmem>> -> memref<1x128xi32, #tpu.memory_space<vmem>>
        %dma_start3A_13 = tpu.memref_squeeze %dma_start3A_12 : memref<1x128xi32, #tpu.memory_space<vmem>> -> memref<128xi32, #tpu.memory_space<vmem>>
        %dma_start3A_14 = arith.constant 0 : i32
        %dma_start3A_15 = arith.constant 0 : i32
        %dma_start3A_16 = tpu.memref_slice %arg2[%dma_start3A_14, %dma_start3A_15] : memref<10000x128xf32, #tpu.memory_space<hbm>> -> memref<10000x128xf32, #tpu.memory_space<hbm>>
        tpu.enqueue_indirect_dma source(%dma_start3A_16 : memref<10000x128xf32, #tpu.memory_space<hbm>>) target(%arg9 : memref<128x128xf32, #tpu.memory_space<vmem>>) offsets(%dma_start3A_13 : memref<128xi32, #tpu.memory_space<vmem>>) semaphore(%run_scoped3A : memref<!tpu.dma_semaphore, #tpu.memory_space<semaphore_mem>>)
        %dma_wait3A = arith.constant 0 : i32
        %dma_wait3A_17 = tpu.memref_slice %arg7[%scan3A_11, %dma_wait3A] : memref<79x128xi32, #tpu.memory_space<vmem>> -> memref<1x128xi32, #tpu.memory_space<vmem>>
        %dma_wait3A_18 = tpu.memref_squeeze %dma_wait3A_17 : memref<1x128xi32, #tpu.memory_space<vmem>> -> memref<128xi32, #tpu.memory_space<vmem>>
        %dma_wait3A_19 = arith.constant 0 : i32
        %dma_wait3A_20 = arith.constant 0 : i32
        %dma_wait3A_21 = tpu.memref_slice %arg2[%dma_wait3A_19, %dma_wait3A_20] : memref<10000x128xf32, #tpu.memory_space<hbm>> -> memref<10000x128xf32, #tpu.memory_space<hbm>>
        tpu.wait_indirect_dma semaphore(%run_scoped3A : memref<!tpu.dma_semaphore, #tpu.memory_space<semaphore_mem>>) src(%dma_wait3A_21 : memref<10000x128xf32, #tpu.memory_space<hbm>>) dst(%arg9 : memref<128x128xf32, #tpu.memory_space<vmem>>)
        tpu.yield
      }) : () -> ()
      "tpu.region"() ({
        %run_scoped3A = tpu.sem_alloc : memref<!tpu.dma_semaphore, #tpu.memory_space<semaphore_mem>>
        %dma_start3A = arith.constant 0 : i32
        %dma_start3A_12 = tpu.memref_slice %arg8[%scan3A_11, %dma_start3A] : memref<79x128xi32, #tpu.memory_space<vmem>> -> memref<1x128xi32, #tpu.memory_space<vmem>>
        %dma_start3A_13 = tpu.memref_squeeze %dma_start3A_12 : memref<1x128xi32, #tpu.memory_space<vmem>> -> memref<128xi32, #tpu.memory_space<vmem>>
        %dma_start3A_14 = arith.constant 0 : i32
        %dma_start3A_15 = arith.constant 0 : i32
        %dma_start3A_16 = tpu.memref_slice %arg10[%dma_start3A_14, %dma_start3A_15] : memref<10112x128xf32, #tpu.memory_space<vmem_shared>> -> memref<10112x128xf32, #tpu.memory_space<vmem_shared>>
        tpu.enqueue_indirect_dma source(%arg9 : memref<128x128xf32, #tpu.memory_space<vmem>>) target(%dma_start3A_16 : memref<10112x128xf32, #tpu.memory_space<vmem_shared>>) offsets(%dma_start3A_13 : memref<128xi32, #tpu.memory_space<vmem>>) semaphore(%run_scoped3A : memref<!tpu.dma_semaphore, #tpu.memory_space<semaphore_mem>>) {add = true}
        %dma_wait3A = arith.constant 0 : i32
        %dma_wait3A_17 = tpu.memref_slice %arg8[%scan3A_11, %dma_wait3A] : memref<79x128xi32, #tpu.memory_space<vmem>> -> memref<1x128xi32, #tpu.memory_space<vmem>>
        %dma_wait3A_18 = tpu.memref_squeeze %dma_wait3A_17 : memref<1x128xi32, #tpu.memory_space<vmem>> -> memref<128xi32, #tpu.memory_space<vmem>>
        %dma_wait3A_19 = arith.constant 0 : i32
        %dma_wait3A_20 = arith.constant 0 : i32
        %dma_wait3A_21 = tpu.memref_slice %arg10[%dma_wait3A_19, %dma_wait3A_20] : memref<10112x128xf32, #tpu.memory_space<vmem_shared>> -> memref<10112x128xf32, #tpu.memory_space<vmem_shared>>
        tpu.wait_indirect_dma semaphore(%run_scoped3A : memref<!tpu.dma_semaphore, #tpu.memory_space<semaphore_mem>>) src(%arg9 : memref<128x128xf32, #tpu.memory_space<vmem>>) dst(%dma_wait3A_21 : memref<10112x128xf32, #tpu.memory_space<vmem_shared>>)
        tpu.yield
      }) : () -> ()
    }
    %scan3A_7 = arith.constant 79 : i32
    %barrier3A_8 = arith.constant 0 : index
    tpu.barrier barrier_id(%barrier3A_8)
    %mul3A_9 = arith.constant 632 : i32
    %mul3A_10 = arith.muli %arg1, %mul3A_9 : i32
    "tpu.region"() ({
      %run_scoped3A = tpu.sem_alloc : memref<!tpu.dma_semaphore, #tpu.memory_space<semaphore_mem>>
      %dma_start3A = arith.constant 0 : i32
      %dma_start3A_11 = arith.constant 0 : i32
      %dma_start3A_12 = tpu.memref_slice %arg6[%arg0, %dma_start3A, %dma_start3A_11] : memref<2x10112x128xf32, #tpu.memory_space<hbm>> -> memref<1x10112x128xf32, #tpu.memory_space<hbm>>
      %dma_start3A_13 = tpu.memref_squeeze %dma_start3A_12 : memref<1x10112x128xf32, #tpu.memory_space<hbm>> -> memref<10112x128xf32, #tpu.memory_space<hbm>>
      %dma_start3A_14 = arith.constant 0 : i32
      %dma_start3A_15 = tpu.memref_slice %dma_start3A_13[%mul3A_10, %dma_start3A_14] : memref<10112x128xf32, #tpu.memory_space<hbm>> -> memref<632x128xf32, #tpu.memory_space<hbm>>
      %dma_start3A_16 = arith.constant 0 : i32
      %dma_start3A_17 = tpu.memref_slice %arg10[%mul3A_10, %dma_start3A_16] : memref<10112x128xf32, #tpu.memory_space<vmem_shared>> -> memref<632x128xf32, #tpu.memory_space<vmem_shared>>
      tpu.enqueue_dma source(%dma_start3A_17 : memref<632x128xf32, #tpu.memory_space<vmem_shared>>) target(%dma_start3A_15 : memref<632x128xf32, #tpu.memory_space<hbm>>) target_semaphore(%run_scoped3A : memref<!tpu.dma_semaphore, #tpu.memory_space<semaphore_mem>>)
      %dma_wait3A = arith.constant 0 : i32
      %dma_wait3A_18 = arith.constant 0 : i32
      %dma_wait3A_19 = tpu.memref_slice %arg6[%arg0, %dma_wait3A, %dma_wait3A_18] : memref<2x10112x128xf32, #tpu.memory_space<hbm>> -> memref<1x10112x128xf32, #tpu.memory_space<hbm>>
      %dma_wait3A_20 = tpu.memref_squeeze %dma_wait3A_19 : memref<1x10112x128xf32, #tpu.memory_space<hbm>> -> memref<10112x128xf32, #tpu.memory_space<hbm>>
      %dma_wait3A_21 = arith.constant 0 : i32
      %dma_wait3A_22 = tpu.memref_slice %dma_wait3A_20[%mul3A_10, %dma_wait3A_21] : memref<10112x128xf32, #tpu.memory_space<hbm>> -> memref<632x128xf32, #tpu.memory_space<hbm>>
      %dma_wait3A_23 = arith.constant 0 : i32
      %dma_wait3A_24 = tpu.memref_slice %arg10[%mul3A_10, %dma_wait3A_23] : memref<10112x128xf32, #tpu.memory_space<vmem_shared>> -> memref<632x128xf32, #tpu.memory_space<vmem_shared>>
      tpu.wait_dma2 semaphore(%run_scoped3A : memref<!tpu.dma_semaphore, #tpu.memory_space<semaphore_mem>>) src(%dma_wait3A_24 : memref<632x128xf32, #tpu.memory_space<vmem_shared>>) dst(%dma_wait3A_22 : memref<632x128xf32, #tpu.memory_space<hbm>>)
      tpu.yield
    }) : () -> ()
    return
  }
}

#map = affine_map<(d0, d1) -> (0, 0, 0)>
#map1 = affine_map<(d0, d1) -> (0, 0)>
module attributes {stable_mosaic.version = 14 : i64} {
  func.func @_deg_body(%arg0: i32, %arg1: i32, %arg2: memref<32x79x128xi32, #tpu.memory_space<hbm>>, %arg3: memref<128x128xf32, #tpu.memory_space<hbm>>, %arg4: memref<632x128xf32, #tpu.memory_space<hbm>>, %arg5: memref<2x10112x128xf32, #tpu.memory_space<hbm>>, %arg6: memref<79x128xi32, #tpu.memory_space<vmem>>, %arg7: memref<128x128xf32, #tpu.memory_space<vmem>>, %arg8: memref<10112x128xf32, #tpu.memory_space<vmem_shared>>) attributes {dimension_semantics = [#tpu.dimension_semantics<core_parallel>, #tpu.dimension_semantics<subcore_parallel>], iteration_bounds = array<i64: 2, 16>, scalar_prefetch = 0 : i64, scratch_operands = 3 : i64, tpu.core_type = #tpu.core_type<sc_vector_subcore>, window_params = [{transform_indices = #map}, {transform_indices = #map1}, {transform_indices = #map1}, {transform_indices = #map}]} {
    %mul3A = arith.constant 16 : i32
    %mul3A_0 = arith.muli %arg0, %mul3A : i32
    %add3A = arith.addi %mul3A_0, %arg1 : i32
    %mul3A_1 = arith.constant 632 : i32
    %mul3A_2 = arith.muli %arg1, %mul3A_1 : i32
    "tpu.region"() ({
      %run_scoped3A = tpu.sem_alloc : memref<!tpu.dma_semaphore, #tpu.memory_space<semaphore_mem>>
      %dma_start3A = arith.constant 0 : i32
      %dma_start3A_11 = tpu.memref_slice %arg8[%mul3A_2, %dma_start3A] : memref<10112x128xf32, #tpu.memory_space<vmem_shared>> -> memref<632x128xf32, #tpu.memory_space<vmem_shared>>
      tpu.enqueue_dma source(%arg4 : memref<632x128xf32, #tpu.memory_space<hbm>>) target(%dma_start3A_11 : memref<632x128xf32, #tpu.memory_space<vmem_shared>>) target_semaphore(%run_scoped3A : memref<!tpu.dma_semaphore, #tpu.memory_space<semaphore_mem>>)
      %dma_wait3A = arith.constant 0 : i32
      %dma_wait3A_12 = tpu.memref_slice %arg8[%mul3A_2, %dma_wait3A] : memref<10112x128xf32, #tpu.memory_space<vmem_shared>> -> memref<632x128xf32, #tpu.memory_space<vmem_shared>>
      tpu.wait_dma2 semaphore(%run_scoped3A : memref<!tpu.dma_semaphore, #tpu.memory_space<semaphore_mem>>) src(%arg4 : memref<632x128xf32, #tpu.memory_space<hbm>>) dst(%dma_wait3A_12 : memref<632x128xf32, #tpu.memory_space<vmem_shared>>)
      tpu.yield
    }) : () -> ()
    "tpu.region"() ({
      %run_scoped3A = tpu.sem_alloc : memref<!tpu.dma_semaphore, #tpu.memory_space<semaphore_mem>>
      tpu.enqueue_dma source(%arg3 : memref<128x128xf32, #tpu.memory_space<hbm>>) target(%arg7 : memref<128x128xf32, #tpu.memory_space<vmem>>) target_semaphore(%run_scoped3A : memref<!tpu.dma_semaphore, #tpu.memory_space<semaphore_mem>>)
      tpu.wait_dma2 semaphore(%run_scoped3A : memref<!tpu.dma_semaphore, #tpu.memory_space<semaphore_mem>>) src(%arg3 : memref<128x128xf32, #tpu.memory_space<hbm>>) dst(%arg7 : memref<128x128xf32, #tpu.memory_space<vmem>>)
      tpu.yield
    }) : () -> ()
    "tpu.region"() ({
      %run_scoped3A = tpu.sem_alloc : memref<!tpu.dma_semaphore, #tpu.memory_space<semaphore_mem>>
      %dma_start3A = arith.constant 0 : i32
      %dma_start3A_11 = arith.constant 0 : i32
      %dma_start3A_12 = tpu.memref_slice %arg2[%add3A, %dma_start3A, %dma_start3A_11] : memref<32x79x128xi32, #tpu.memory_space<hbm>> -> memref<1x79x128xi32, #tpu.memory_space<hbm>>
      %dma_start3A_13 = tpu.memref_squeeze %dma_start3A_12 : memref<1x79x128xi32, #tpu.memory_space<hbm>> -> memref<79x128xi32, #tpu.memory_space<hbm>>
      %dma_start3A_14 = arith.constant 0 : i32
      %dma_start3A_15 = arith.constant 0 : i32
      %dma_start3A_16 = tpu.memref_slice %arg2[%add3A, %dma_start3A_14, %dma_start3A_15] : memref<32x79x128xi32, #tpu.memory_space<hbm>> -> memref<1x79x128xi32, #tpu.memory_space<hbm>>
      %dma_start3A_17 = tpu.memref_squeeze %dma_start3A_16 : memref<1x79x128xi32, #tpu.memory_space<hbm>> -> memref<79x128xi32, #tpu.memory_space<hbm>>
      tpu.enqueue_dma source(%dma_start3A_17 : memref<79x128xi32, #tpu.memory_space<hbm>>) target(%arg6 : memref<79x128xi32, #tpu.memory_space<vmem>>) target_semaphore(%run_scoped3A : memref<!tpu.dma_semaphore, #tpu.memory_space<semaphore_mem>>)
      %dma_wait3A = arith.constant 0 : i32
      %dma_wait3A_18 = arith.constant 0 : i32
      %dma_wait3A_19 = tpu.memref_slice %arg2[%add3A, %dma_wait3A, %dma_wait3A_18] : memref<32x79x128xi32, #tpu.memory_space<hbm>> -> memref<1x79x128xi32, #tpu.memory_space<hbm>>
      %dma_wait3A_20 = tpu.memref_squeeze %dma_wait3A_19 : memref<1x79x128xi32, #tpu.memory_space<hbm>> -> memref<79x128xi32, #tpu.memory_space<hbm>>
      %dma_wait3A_21 = arith.constant 0 : i32
      %dma_wait3A_22 = arith.constant 0 : i32
      %dma_wait3A_23 = tpu.memref_slice %arg2[%add3A, %dma_wait3A_21, %dma_wait3A_22] : memref<32x79x128xi32, #tpu.memory_space<hbm>> -> memref<1x79x128xi32, #tpu.memory_space<hbm>>
      %dma_wait3A_24 = tpu.memref_squeeze %dma_wait3A_23 : memref<1x79x128xi32, #tpu.memory_space<hbm>> -> memref<79x128xi32, #tpu.memory_space<hbm>>
      tpu.wait_dma2 semaphore(%run_scoped3A : memref<!tpu.dma_semaphore, #tpu.memory_space<semaphore_mem>>) src(%dma_wait3A_24 : memref<79x128xi32, #tpu.memory_space<hbm>>) dst(%arg6 : memref<79x128xi32, #tpu.memory_space<vmem>>)
      tpu.yield
    }) : () -> ()
    %barrier3A = arith.constant 0 : index
    tpu.barrier barrier_id(%barrier3A)
    %scan3A = arith.constant 0 : i32
    %scan3A_3 = arith.constant 0 : i32
    %scan3A_4 = arith.constant 79 : i32
    %scan3A_5 = arith.addi %scan3A_3, %scan3A_4 : i32
    %scan3A_6 = arith.constant 1 : i32
    scf.for %scan3A_11 = %scan3A_3 to %scan3A_5 step %scan3A_6  : i32 {
      "tpu.region"() ({
        %run_scoped3A = tpu.sem_alloc : memref<!tpu.dma_semaphore, #tpu.memory_space<semaphore_mem>>
        %dma_start3A = arith.constant 0 : i32
        %dma_start3A_12 = tpu.memref_slice %arg6[%scan3A_11, %dma_start3A] : memref<79x128xi32, #tpu.memory_space<vmem>> -> memref<1x128xi32, #tpu.memory_space<vmem>>
        %dma_start3A_13 = tpu.memref_squeeze %dma_start3A_12 : memref<1x128xi32, #tpu.memory_space<vmem>> -> memref<128xi32, #tpu.memory_space<vmem>>
        %dma_start3A_14 = arith.constant 0 : i32
        %dma_start3A_15 = arith.constant 0 : i32
        %dma_start3A_16 = tpu.memref_slice %arg8[%dma_start3A_14, %dma_start3A_15] : memref<10112x128xf32, #tpu.memory_space<vmem_shared>> -> memref<10112x128xf32, #tpu.memory_space<vmem_shared>>
        tpu.enqueue_indirect_dma source(%arg7 : memref<128x128xf32, #tpu.memory_space<vmem>>) target(%dma_start3A_16 : memref<10112x128xf32, #tpu.memory_space<vmem_shared>>) offsets(%dma_start3A_13 : memref<128xi32, #tpu.memory_space<vmem>>) semaphore(%run_scoped3A : memref<!tpu.dma_semaphore, #tpu.memory_space<semaphore_mem>>) {add = true}
        %dma_wait3A = arith.constant 0 : i32
        %dma_wait3A_17 = tpu.memref_slice %arg6[%scan3A_11, %dma_wait3A] : memref<79x128xi32, #tpu.memory_space<vmem>> -> memref<1x128xi32, #tpu.memory_space<vmem>>
        %dma_wait3A_18 = tpu.memref_squeeze %dma_wait3A_17 : memref<1x128xi32, #tpu.memory_space<vmem>> -> memref<128xi32, #tpu.memory_space<vmem>>
        %dma_wait3A_19 = arith.constant 0 : i32
        %dma_wait3A_20 = arith.constant 0 : i32
        %dma_wait3A_21 = tpu.memref_slice %arg8[%dma_wait3A_19, %dma_wait3A_20] : memref<10112x128xf32, #tpu.memory_space<vmem_shared>> -> memref<10112x128xf32, #tpu.memory_space<vmem_shared>>
        tpu.wait_indirect_dma semaphore(%run_scoped3A : memref<!tpu.dma_semaphore, #tpu.memory_space<semaphore_mem>>) src(%arg7 : memref<128x128xf32, #tpu.memory_space<vmem>>) dst(%dma_wait3A_21 : memref<10112x128xf32, #tpu.memory_space<vmem_shared>>)
        tpu.yield
      }) : () -> ()
    }
    %scan3A_7 = arith.constant 79 : i32
    %barrier3A_8 = arith.constant 0 : index
    tpu.barrier barrier_id(%barrier3A_8)
    %mul3A_9 = arith.constant 632 : i32
    %mul3A_10 = arith.muli %arg1, %mul3A_9 : i32
    "tpu.region"() ({
      %run_scoped3A = tpu.sem_alloc : memref<!tpu.dma_semaphore, #tpu.memory_space<semaphore_mem>>
      %dma_start3A = arith.constant 0 : i32
      %dma_start3A_11 = arith.constant 0 : i32
      %dma_start3A_12 = tpu.memref_slice %arg5[%arg0, %dma_start3A, %dma_start3A_11] : memref<2x10112x128xf32, #tpu.memory_space<hbm>> -> memref<1x10112x128xf32, #tpu.memory_space<hbm>>
      %dma_start3A_13 = tpu.memref_squeeze %dma_start3A_12 : memref<1x10112x128xf32, #tpu.memory_space<hbm>> -> memref<10112x128xf32, #tpu.memory_space<hbm>>
      %dma_start3A_14 = arith.constant 0 : i32
      %dma_start3A_15 = tpu.memref_slice %dma_start3A_13[%mul3A_10, %dma_start3A_14] : memref<10112x128xf32, #tpu.memory_space<hbm>> -> memref<632x128xf32, #tpu.memory_space<hbm>>
      %dma_start3A_16 = arith.constant 0 : i32
      %dma_start3A_17 = tpu.memref_slice %arg8[%mul3A_10, %dma_start3A_16] : memref<10112x128xf32, #tpu.memory_space<vmem_shared>> -> memref<632x128xf32, #tpu.memory_space<vmem_shared>>
      tpu.enqueue_dma source(%dma_start3A_17 : memref<632x128xf32, #tpu.memory_space<vmem_shared>>) target(%dma_start3A_15 : memref<632x128xf32, #tpu.memory_space<hbm>>) target_semaphore(%run_scoped3A : memref<!tpu.dma_semaphore, #tpu.memory_space<semaphore_mem>>)
      %dma_wait3A = arith.constant 0 : i32
      %dma_wait3A_18 = arith.constant 0 : i32
      %dma_wait3A_19 = tpu.memref_slice %arg5[%arg0, %dma_wait3A, %dma_wait3A_18] : memref<2x10112x128xf32, #tpu.memory_space<hbm>> -> memref<1x10112x128xf32, #tpu.memory_space<hbm>>
      %dma_wait3A_20 = tpu.memref_squeeze %dma_wait3A_19 : memref<1x10112x128xf32, #tpu.memory_space<hbm>> -> memref<10112x128xf32, #tpu.memory_space<hbm>>
      %dma_wait3A_21 = arith.constant 0 : i32
      %dma_wait3A_22 = tpu.memref_slice %dma_wait3A_20[%mul3A_10, %dma_wait3A_21] : memref<10112x128xf32, #tpu.memory_space<hbm>> -> memref<632x128xf32, #tpu.memory_space<hbm>>
      %dma_wait3A_23 = arith.constant 0 : i32
      %dma_wait3A_24 = tpu.memref_slice %arg8[%mul3A_10, %dma_wait3A_23] : memref<10112x128xf32, #tpu.memory_space<vmem_shared>> -> memref<632x128xf32, #tpu.memory_space<vmem_shared>>
      tpu.wait_dma2 semaphore(%run_scoped3A : memref<!tpu.dma_semaphore, #tpu.memory_space<semaphore_mem>>) src(%dma_wait3A_24 : memref<632x128xf32, #tpu.memory_space<vmem_shared>>) dst(%dma_wait3A_22 : memref<632x128xf32, #tpu.memory_space<hbm>>)
      tpu.yield
    }) : () -> ()
    return
  }
}

#map = affine_map<(d0, d1) -> (0, 0)>
#map1 = affine_map<(d0, d1) -> (0, 0, 0)>
module attributes {stable_mosaic.version = 14 : i64} {
  func.func @_egather_body(%arg0: i32, %arg1: i32, %arg2: memref<10000x128xf32, #tpu.memory_space<hbm>>, %arg3: memref<10000x128xf32, #tpu.memory_space<hbm>>, %arg4: memref<32x79x128xi32, #tpu.memory_space<hbm>>, %arg5: memref<32x79x128xi32, #tpu.memory_space<hbm>>, %arg6: memref<323584x128xf32, #tpu.memory_space<hbm>>, %arg7: memref<323584x128xf32, #tpu.memory_space<hbm>>, %arg8: memref<79x128xi32, #tpu.memory_space<vmem>>, %arg9: memref<79x128xi32, #tpu.memory_space<vmem>>, %arg10: memref<128x128xf32, #tpu.memory_space<vmem>>, %arg11: memref<128x128xf32, #tpu.memory_space<vmem>>, %arg12: memref<!tpu.dma_semaphore, #tpu.memory_space<semaphore_mem>>, %arg13: memref<!tpu.dma_semaphore, #tpu.memory_space<semaphore_mem>>) attributes {dimension_semantics = [#tpu.dimension_semantics<core_parallel>, #tpu.dimension_semantics<subcore_parallel>], iteration_bounds = array<i64: 2, 16>, scalar_prefetch = 0 : i64, scratch_operands = 6 : i64, tpu.core_type = #tpu.core_type<sc_vector_subcore>, window_params = [{transform_indices = #map}, {transform_indices = #map}, {transform_indices = #map1}, {transform_indices = #map1}, {transform_indices = #map}, {transform_indices = #map}]} {
    %mul3A = arith.constant 16 : i32
    %mul3A_0 = arith.muli %arg0, %mul3A : i32
    %add3A = arith.addi %mul3A_0, %arg1 : i32
    "tpu.region"() ({
      %run_scoped3A = tpu.sem_alloc : memref<!tpu.dma_semaphore, #tpu.memory_space<semaphore_mem>>
      %dma_start3A = arith.constant 0 : i32
      %dma_start3A_6 = arith.constant 0 : i32
      %dma_start3A_7 = tpu.memref_slice %arg4[%add3A, %dma_start3A, %dma_start3A_6] : memref<32x79x128xi32, #tpu.memory_space<hbm>> -> memref<1x79x128xi32, #tpu.memory_space<hbm>>
      %dma_start3A_8 = tpu.memref_squeeze %dma_start3A_7 : memref<1x79x128xi32, #tpu.memory_space<hbm>> -> memref<79x128xi32, #tpu.memory_space<hbm>>
      %dma_start3A_9 = arith.constant 0 : i32
      %dma_start3A_10 = arith.constant 0 : i32
      %dma_start3A_11 = tpu.memref_slice %arg4[%add3A, %dma_start3A_9, %dma_start3A_10] : memref<32x79x128xi32, #tpu.memory_space<hbm>> -> memref<1x79x128xi32, #tpu.memory_space<hbm>>
      %dma_start3A_12 = tpu.memref_squeeze %dma_start3A_11 : memref<1x79x128xi32, #tpu.memory_space<hbm>> -> memref<79x128xi32, #tpu.memory_space<hbm>>
      tpu.enqueue_dma source(%dma_start3A_12 : memref<79x128xi32, #tpu.memory_space<hbm>>) target(%arg8 : memref<79x128xi32, #tpu.memory_space<vmem>>) target_semaphore(%run_scoped3A : memref<!tpu.dma_semaphore, #tpu.memory_space<semaphore_mem>>)
      %dma_wait3A = arith.constant 0 : i32
      %dma_wait3A_13 = arith.constant 0 : i32
      %dma_wait3A_14 = tpu.memref_slice %arg4[%add3A, %dma_wait3A, %dma_wait3A_13] : memref<32x79x128xi32, #tpu.memory_space<hbm>> -> memref<1x79x128xi32, #tpu.memory_space<hbm>>
      %dma_wait3A_15 = tpu.memref_squeeze %dma_wait3A_14 : memref<1x79x128xi32, #tpu.memory_space<hbm>> -> memref<79x128xi32, #tpu.memory_space<hbm>>
      %dma_wait3A_16 = arith.constant 0 : i32
      %dma_wait3A_17 = arith.constant 0 : i32
      %dma_wait3A_18 = tpu.memref_slice %arg4[%add3A, %dma_wait3A_16, %dma_wait3A_17] : memref<32x79x128xi32, #tpu.memory_space<hbm>> -> memref<1x79x128xi32, #tpu.memory_space<hbm>>
      %dma_wait3A_19 = tpu.memref_squeeze %dma_wait3A_18 : memref<1x79x128xi32, #tpu.memory_space<hbm>> -> memref<79x128xi32, #tpu.memory_space<hbm>>
      tpu.wait_dma2 semaphore(%run_scoped3A : memref<!tpu.dma_semaphore, #tpu.memory_space<semaphore_mem>>) src(%dma_wait3A_19 : memref<79x128xi32, #tpu.memory_space<hbm>>) dst(%arg8 : memref<79x128xi32, #tpu.memory_space<vmem>>)
      tpu.yield
    }) : () -> ()
    "tpu.region"() ({
      %run_scoped3A = tpu.sem_alloc : memref<!tpu.dma_semaphore, #tpu.memory_space<semaphore_mem>>
      %dma_start3A = arith.constant 0 : i32
      %dma_start3A_6 = arith.constant 0 : i32
      %dma_start3A_7 = tpu.memref_slice %arg5[%add3A, %dma_start3A, %dma_start3A_6] : memref<32x79x128xi32, #tpu.memory_space<hbm>> -> memref<1x79x128xi32, #tpu.memory_space<hbm>>
      %dma_start3A_8 = tpu.memref_squeeze %dma_start3A_7 : memref<1x79x128xi32, #tpu.memory_space<hbm>> -> memref<79x128xi32, #tpu.memory_space<hbm>>
      %dma_start3A_9 = arith.constant 0 : i32
      %dma_start3A_10 = arith.constant 0 : i32
      %dma_start3A_11 = tpu.memref_slice %arg5[%add3A, %dma_start3A_9, %dma_start3A_10] : memref<32x79x128xi32, #tpu.memory_space<hbm>> -> memref<1x79x128xi32, #tpu.memory_space<hbm>>
      %dma_start3A_12 = tpu.memref_squeeze %dma_start3A_11 : memref<1x79x128xi32, #tpu.memory_space<hbm>> -> memref<79x128xi32, #tpu.memory_space<hbm>>
      tpu.enqueue_dma source(%dma_start3A_12 : memref<79x128xi32, #tpu.memory_space<hbm>>) target(%arg9 : memref<79x128xi32, #tpu.memory_space<vmem>>) target_semaphore(%run_scoped3A : memref<!tpu.dma_semaphore, #tpu.memory_space<semaphore_mem>>)
      %dma_wait3A = arith.constant 0 : i32
      %dma_wait3A_13 = arith.constant 0 : i32
      %dma_wait3A_14 = tpu.memref_slice %arg5[%add3A, %dma_wait3A, %dma_wait3A_13] : memref<32x79x128xi32, #tpu.memory_space<hbm>> -> memref<1x79x128xi32, #tpu.memory_space<hbm>>
      %dma_wait3A_15 = tpu.memref_squeeze %dma_wait3A_14 : memref<1x79x128xi32, #tpu.memory_space<hbm>> -> memref<79x128xi32, #tpu.memory_space<hbm>>
      %dma_wait3A_16 = arith.constant 0 : i32
      %dma_wait3A_17 = arith.constant 0 : i32
      %dma_wait3A_18 = tpu.memref_slice %arg5[%add3A, %dma_wait3A_16, %dma_wait3A_17] : memref<32x79x128xi32, #tpu.memory_space<hbm>> -> memref<1x79x128xi32, #tpu.memory_space<hbm>>
      %dma_wait3A_19 = tpu.memref_squeeze %dma_wait3A_18 : memref<1x79x128xi32, #tpu.memory_space<hbm>> -> memref<79x128xi32, #tpu.memory_space<hbm>>
      tpu.wait_dma2 semaphore(%run_scoped3A : memref<!tpu.dma_semaphore, #tpu.memory_space<semaphore_mem>>) src(%dma_wait3A_19 : memref<79x128xi32, #tpu.memory_space<hbm>>) dst(%arg9 : memref<79x128xi32, #tpu.memory_space<vmem>>)
      tpu.yield
    }) : () -> ()
    %scan3A = arith.constant 0 : i32
    %scan3A_1 = arith.constant 0 : i32
    %scan3A_2 = arith.constant 79 : i32
    %scan3A_3 = arith.addi %scan3A_1, %scan3A_2 : i32
    %scan3A_4 = arith.constant 1 : i32
    scf.for %scan3A_6 = %scan3A_1 to %scan3A_3 step %scan3A_4  : i32 {
      %dma_start3A = arith.constant 0 : i32
      %dma_start3A_7 = tpu.memref_slice %arg8[%scan3A_6, %dma_start3A] : memref<79x128xi32, #tpu.memory_space<vmem>> -> memref<1x128xi32, #tpu.memory_space<vmem>>
      %dma_start3A_8 = tpu.memref_squeeze %dma_start3A_7 : memref<1x128xi32, #tpu.memory_space<vmem>> -> memref<128xi32, #tpu.memory_space<vmem>>
      %dma_start3A_9 = arith.constant 0 : i32
      %dma_start3A_10 = arith.constant 0 : i32
      %dma_start3A_11 = tpu.memref_slice %arg2[%dma_start3A_9, %dma_start3A_10] : memref<10000x128xf32, #tpu.memory_space<hbm>> -> memref<10000x128xf32, #tpu.memory_space<hbm>>
      tpu.enqueue_indirect_dma source(%dma_start3A_11 : memref<10000x128xf32, #tpu.memory_space<hbm>>) target(%arg10 : memref<128x128xf32, #tpu.memory_space<vmem>>) offsets(%dma_start3A_8 : memref<128xi32, #tpu.memory_space<vmem>>) semaphore(%arg12 : memref<!tpu.dma_semaphore, #tpu.memory_space<semaphore_mem>>)
      %dma_start3A_12 = arith.constant 0 : i32
      %dma_start3A_13 = tpu.memref_slice %arg9[%scan3A_6, %dma_start3A_12] : memref<79x128xi32, #tpu.memory_space<vmem>> -> memref<1x128xi32, #tpu.memory_space<vmem>>
      %dma_start3A_14 = tpu.memref_squeeze %dma_start3A_13 : memref<1x128xi32, #tpu.memory_space<vmem>> -> memref<128xi32, #tpu.memory_space<vmem>>
      %dma_start3A_15 = arith.constant 0 : i32
      %dma_start3A_16 = arith.constant 0 : i32
      %dma_start3A_17 = tpu.memref_slice %arg3[%dma_start3A_15, %dma_start3A_16] : memref<10000x128xf32, #tpu.memory_space<hbm>> -> memref<10000x128xf32, #tpu.memory_space<hbm>>
      tpu.enqueue_indirect_dma source(%dma_start3A_17 : memref<10000x128xf32, #tpu.memory_space<hbm>>) target(%arg11 : memref<128x128xf32, #tpu.memory_space<vmem>>) offsets(%dma_start3A_14 : memref<128xi32, #tpu.memory_space<vmem>>) semaphore(%arg13 : memref<!tpu.dma_semaphore, #tpu.memory_space<semaphore_mem>>)
      %dma_wait3A = arith.constant 0 : i32
      %dma_wait3A_18 = tpu.memref_slice %arg8[%scan3A_6, %dma_wait3A] : memref<79x128xi32, #tpu.memory_space<vmem>> -> memref<1x128xi32, #tpu.memory_space<vmem>>
      %dma_wait3A_19 = tpu.memref_squeeze %dma_wait3A_18 : memref<1x128xi32, #tpu.memory_space<vmem>> -> memref<128xi32, #tpu.memory_space<vmem>>
      %dma_wait3A_20 = arith.constant 0 : i32
      %dma_wait3A_21 = arith.constant 0 : i32
      %dma_wait3A_22 = tpu.memref_slice %arg2[%dma_wait3A_20, %dma_wait3A_21] : memref<10000x128xf32, #tpu.memory_space<hbm>> -> memref<10000x128xf32, #tpu.memory_space<hbm>>
      tpu.wait_indirect_dma semaphore(%arg12 : memref<!tpu.dma_semaphore, #tpu.memory_space<semaphore_mem>>) src(%dma_wait3A_22 : memref<10000x128xf32, #tpu.memory_space<hbm>>) dst(%arg10 : memref<128x128xf32, #tpu.memory_space<vmem>>)
      %dma_wait3A_23 = arith.constant 0 : i32
      %dma_wait3A_24 = tpu.memref_slice %arg9[%scan3A_6, %dma_wait3A_23] : memref<79x128xi32, #tpu.memory_space<vmem>> -> memref<1x128xi32, #tpu.memory_space<vmem>>
      %dma_wait3A_25 = tpu.memref_squeeze %dma_wait3A_24 : memref<1x128xi32, #tpu.memory_space<vmem>> -> memref<128xi32, #tpu.memory_space<vmem>>
      %dma_wait3A_26 = arith.constant 0 : i32
      %dma_wait3A_27 = arith.constant 0 : i32
      %dma_wait3A_28 = tpu.memref_slice %arg3[%dma_wait3A_26, %dma_wait3A_27] : memref<10000x128xf32, #tpu.memory_space<hbm>> -> memref<10000x128xf32, #tpu.memory_space<hbm>>
      tpu.wait_indirect_dma semaphore(%arg13 : memref<!tpu.dma_semaphore, #tpu.memory_space<semaphore_mem>>) src(%dma_wait3A_28 : memref<10000x128xf32, #tpu.memory_space<hbm>>) dst(%arg11 : memref<128x128xf32, #tpu.memory_space<vmem>>)
      %mul3A_29 = arith.constant 10112 : i32
      %mul3A_30 = arith.muli %add3A, %mul3A_29 : i32
      %mul3A_31 = arith.constant 128 : i32
      %mul3A_32 = arith.muli %scan3A_6, %mul3A_31 : i32
      %add3A_33 = arith.addi %mul3A_30, %mul3A_32 : i32
      "tpu.region"() ({
        %run_scoped3A = tpu.sem_alloc : memref<!tpu.dma_semaphore, #tpu.memory_space<semaphore_mem>>
        %dma_start3A_34 = arith.constant 0 : i32
        %dma_start3A_35 = tpu.memref_slice %arg6[%add3A_33, %dma_start3A_34] : memref<323584x128xf32, #tpu.memory_space<hbm>> -> memref<128x128xf32, #tpu.memory_space<hbm>>
        %dma_start3A_36 = arith.constant 0 : i32
        %dma_start3A_37 = tpu.memref_slice %arg6[%add3A_33, %dma_start3A_36] : memref<323584x128xf32, #tpu.memory_space<hbm>> -> memref<128x128xf32, #tpu.memory_space<hbm>>
        tpu.enqueue_dma source(%arg10 : memref<128x128xf32, #tpu.memory_space<vmem>>) target(%dma_start3A_37 : memref<128x128xf32, #tpu.memory_space<hbm>>) target_semaphore(%run_scoped3A : memref<!tpu.dma_semaphore, #tpu.memory_space<semaphore_mem>>)
        %dma_wait3A_38 = arith.constant 0 : i32
        %dma_wait3A_39 = tpu.memref_slice %arg6[%add3A_33, %dma_wait3A_38] : memref<323584x128xf32, #tpu.memory_space<hbm>> -> memref<128x128xf32, #tpu.memory_space<hbm>>
        %dma_wait3A_40 = arith.constant 0 : i32
        %dma_wait3A_41 = tpu.memref_slice %arg6[%add3A_33, %dma_wait3A_40] : memref<323584x128xf32, #tpu.memory_space<hbm>> -> memref<128x128xf32, #tpu.memory_space<hbm>>
        tpu.wait_dma2 semaphore(%run_scoped3A : memref<!tpu.dma_semaphore, #tpu.memory_space<semaphore_mem>>) src(%arg10 : memref<128x128xf32, #tpu.memory_space<vmem>>) dst(%dma_wait3A_41 : memref<128x128xf32, #tpu.memory_space<hbm>>)
        tpu.yield
      }) : () -> ()
      "tpu.region"() ({
        %run_scoped3A = tpu.sem_alloc : memref<!tpu.dma_semaphore, #tpu.memory_space<semaphore_mem>>
        %dma_start3A_34 = arith.constant 0 : i32
        %dma_start3A_35 = tpu.memref_slice %arg7[%add3A_33, %dma_start3A_34] : memref<323584x128xf32, #tpu.memory_space<hbm>> -> memref<128x128xf32, #tpu.memory_space<hbm>>
        %dma_start3A_36 = arith.constant 0 : i32
        %dma_start3A_37 = tpu.memref_slice %arg7[%add3A_33, %dma_start3A_36] : memref<323584x128xf32, #tpu.memory_space<hbm>> -> memref<128x128xf32, #tpu.memory_space<hbm>>
        tpu.enqueue_dma source(%arg11 : memref<128x128xf32, #tpu.memory_space<vmem>>) target(%dma_start3A_37 : memref<128x128xf32, #tpu.memory_space<hbm>>) target_semaphore(%run_scoped3A : memref<!tpu.dma_semaphore, #tpu.memory_space<semaphore_mem>>)
        %dma_wait3A_38 = arith.constant 0 : i32
        %dma_wait3A_39 = tpu.memref_slice %arg7[%add3A_33, %dma_wait3A_38] : memref<323584x128xf32, #tpu.memory_space<hbm>> -> memref<128x128xf32, #tpu.memory_space<hbm>>
        %dma_wait3A_40 = arith.constant 0 : i32
        %dma_wait3A_41 = tpu.memref_slice %arg7[%add3A_33, %dma_wait3A_40] : memref<323584x128xf32, #tpu.memory_space<hbm>> -> memref<128x128xf32, #tpu.memory_space<hbm>>
        tpu.wait_dma2 semaphore(%run_scoped3A : memref<!tpu.dma_semaphore, #tpu.memory_space<semaphore_mem>>) src(%arg11 : memref<128x128xf32, #tpu.memory_space<vmem>>) dst(%dma_wait3A_41 : memref<128x128xf32, #tpu.memory_space<hbm>>)
        tpu.yield
      }) : () -> ()
    }
    %scan3A_5 = arith.constant 79 : i32
    return
  }
}

module attributes {stable_mosaic.version = 14 : i64} {
  func.func @_tc1_body(%arg0: i32, %arg1: memref<2000x128xf32, #tpu.memory_space<vmem>>, %arg2: memref<128x128xf32, #tpu.memory_space<vmem>>, %arg3: memref<1x2000x128xf32, #tpu.memory_space<vmem>>, %arg4: memref<1x2000x128xf32, #tpu.memory_space<vmem>>, %arg5: memref<2000x128xf32, #tpu.memory_space<vmem>>, %arg6: memref<2000x16xf32, #tpu.memory_space<vmem>>) attributes {dimension_semantics = [#tpu.dimension_semantics<arbitrary>], iteration_bounds = array<i64: 5>, scalar_prefetch = 0 : i64, scratch_operands = 0 : i64, tpu.core_type = #tpu.core_type<tc>, window_params = [{transform_indices = @transform_0, window_bounds = array<i64: 2000, 128>}, {pipeline_mode = #tpu.pipeline_mode<synchronous>, transform_indices = @transform_1, window_bounds = array<i64: 128, 128>}, {transform_indices = @transform_2, window_bounds = array<i64: 1, 2000, 128>}, {transform_indices = @transform_3, window_bounds = array<i64: 1, 2000, 128>}, {transform_indices = @transform_4, window_bounds = array<i64: 2000, 128>}, {transform_indices = @transform_5, window_bounds = array<i64: 2000, 16>}]} {
    %get3A = arith.constant 0 : index
    %get3A_0 = arith.constant 0 : index
    %get3A_1 = arith.constant 0 : index
    %get3A_2 = vector.load %arg3[%get3A, %get3A_0, %get3A_1] : memref<1x2000x128xf32, #tpu.memory_space<vmem>>, vector<1x2000x1xf32>
    %get3A_3 = vector.shape_cast %get3A_2 : vector<1x2000x1xf32> to vector<2000x1xf32>
    %add3A = arith.constant 1.000000e+00 : f32
    %add3A_4 = vector.broadcast %add3A : f32 to vector<2000x1xf32>
    %add3A_5 = arith.addf %add3A_4, %get3A_3 : vector<2000x1xf32>
    %get3A_6 = arith.constant 0 : index
    %get3A_7 = arith.constant 0 : index
    %get3A_8 = arith.constant 0 : index
    %get3A_9 = vector.load %arg4[%get3A_6, %get3A_7, %get3A_8] : memref<1x2000x128xf32, #tpu.memory_space<vmem>>, vector<1x2000x1xf32>
    %get3A_10 = vector.shape_cast %get3A_9 : vector<1x2000x1xf32> to vector<2000x1xf32>
    %add3A_11 = arith.addf %add3A_5, %get3A_10 : vector<2000x1xf32>
    %rsqrt3A = math.rsqrt %add3A_11 : vector<2000x1xf32>
    %get3A_12 = arith.constant 0 : index
    %get3A_13 = arith.constant 0 : index
    %get3A_14 = vector.load %arg1[%get3A_12, %get3A_13] : memref<2000x128xf32, #tpu.memory_space<vmem>>, vector<2000x128xf32>
    %get3A_15 = arith.constant 0 : index
    %get3A_16 = arith.constant 0 : index
    %get3A_17 = vector.load %arg2[%get3A_15, %get3A_16] : memref<128x128xf32, #tpu.memory_space<vmem>>, vector<128x128xf32>
    %dot_general3A = arith.constant dense<0.000000e+00> : vector<2000x128xf32>
    %dot_general3A_18 = tpu.matmul %get3A_14, %get3A_17, %dot_general3A {dimension_numbers = #tpu.dot_dimension_numbers<[1], [0], [0], [1], [0, 0, 1, 1], [], []>, transpose_lhs_hint = false} : vector<2000x128xf32>, vector<128x128xf32>, vector<2000x128xf32> -> vector<2000x128xf32>
    %mul3A = vector.broadcast %rsqrt3A : vector<2000x1xf32> to vector<2000x128xf32>
    %mul3A_19 = arith.mulf %dot_general3A_18, %mul3A : vector<2000x128xf32>
    %swap3A = arith.constant 0 : index
    %swap3A_20 = arith.constant 0 : index
    %swap3A_21 = vector.load %arg5[%swap3A, %swap3A_20] : memref<2000x128xf32, #tpu.memory_space<vmem>>, vector<2000x128xf32>
    tpu.vector_store %arg5[%swap3A, %swap3A_20], %mul3A_19 {strides = array<i32>} : memref<2000x128xf32, #tpu.memory_space<vmem>>, vector<2000x128xf32>,
    %broadcast_in_dim3A = vector.shape_cast %rsqrt3A : vector<2000x1xf32> to vector<2000x1xf32>
    %broadcast_in_dim3A_22 = vector.broadcast %broadcast_in_dim3A : vector<2000x1xf32> to vector<2000x16xf32>
    %swap3A_23 = arith.constant 0 : index
    %swap3A_24 = arith.constant 0 : index
    %swap3A_25 = vector.load %arg6[%swap3A_23, %swap3A_24] : memref<2000x16xf32, #tpu.memory_space<vmem>>, vector<2000x16xf32>
    tpu.vector_store %arg6[%swap3A_23, %swap3A_24], %broadcast_in_dim3A_22 {strides = array<i32>} : memref<2000x16xf32, #tpu.memory_space<vmem>>, vector<2000x16xf32>,
    return
  }
  func.func @transform_0(%arg0: i32) -> (i32, i32) {
    %c0_i32 = arith.constant 0 : i32
    %c0_i32_0 = arith.constant 0 : i32
    return %arg0, %c0_i32 : i32, i32
  }
  func.func @transform_1(%arg0: i32) -> (i32, i32) {
    %c0_i32 = arith.constant 0 : i32
    %c0_i32_0 = arith.constant 0 : i32
    %c0_i32_1 = arith.constant 0 : i32
    return %c0_i32, %c0_i32_0 : i32, i32
  }
  func.func @transform_2(%arg0: i32) -> (i32, i32, i32) {
    %c0_i32 = arith.constant 0 : i32
    %c0_i32_0 = arith.constant 0 : i32
    %c0_i32_1 = arith.constant 0 : i32
    return %c0_i32, %arg0, %c0_i32_0 : i32, i32, i32
  }
  func.func @transform_3(%arg0: i32) -> (i32, i32, i32) {
    %c1_i32 = arith.constant 1 : i32
    %c0_i32 = arith.constant 0 : i32
    %c0_i32_0 = arith.constant 0 : i32
    return %c1_i32, %arg0, %c0_i32 : i32, i32, i32
  }
  func.func @transform_4(%arg0: i32) -> (i32, i32) {
    %c0_i32 = arith.constant 0 : i32
    %c0_i32_0 = arith.constant 0 : i32
    return %arg0, %c0_i32 : i32, i32
  }
  func.func @transform_5(%arg0: i32) -> (i32, i32) {
    %c0_i32 = arith.constant 0 : i32
    %c0_i32_0 = arith.constant 0 : i32
    return %arg0, %c0_i32 : i32, i32
  }
}

module attributes {stable_mosaic.version = 14 : i64} {
  func.func @_tc2_body(%arg0: i32, %arg1: memref<1x2000x128xf32, #tpu.memory_space<vmem>>, %arg2: memref<1x2000x128xf32, #tpu.memory_space<vmem>>, %arg3: memref<2000x128xf32, #tpu.memory_space<vmem>>, %arg4: memref<2000x16xf32, #tpu.memory_space<vmem>>, %arg5: memref<128xf32, #tpu.memory_space<vmem>>, %arg6: memref<128x128xf32, #tpu.memory_space<vmem>>, %arg7: memref<2000x128xf32, #tpu.memory_space<vmem>>) attributes {dimension_semantics = [#tpu.dimension_semantics<arbitrary>], iteration_bounds = array<i64: 5>, scalar_prefetch = 0 : i64, scratch_operands = 0 : i64, tpu.core_type = #tpu.core_type<tc>, window_params = [{transform_indices = @transform_0, window_bounds = array<i64: 1, 2000, 128>}, {transform_indices = @transform_1, window_bounds = array<i64: 1, 2000, 128>}, {transform_indices = @transform_2, window_bounds = array<i64: 2000, 128>}, {transform_indices = @transform_3, window_bounds = array<i64: 2000, 16>}, {pipeline_mode = #tpu.pipeline_mode<synchronous>, transform_indices = @transform_4, window_bounds = array<i64: 128>}, {pipeline_mode = #tpu.pipeline_mode<synchronous>, transform_indices = @transform_5, window_bounds = array<i64: 128, 128>}, {transform_indices = @transform_6, window_bounds = array<i64: 2000, 128>}]} {
    %get3A = arith.constant 0 : index
    %get3A_0 = arith.constant 0 : index
    %get3A_1 = vector.load %arg4[%get3A, %get3A_0] : memref<2000x16xf32, #tpu.memory_space<vmem>>, vector<2000x1xf32>
    %get3A_2 = arith.constant 0 : index
    %get3A_3 = arith.constant 0 : index
    %get3A_4 = arith.constant 0 : index
    %get3A_5 = vector.load %arg1[%get3A_2, %get3A_3, %get3A_4] : memref<1x2000x128xf32, #tpu.memory_space<vmem>>, vector<1x2000x128xf32>
    %get3A_6 = vector.shape_cast %get3A_5 : vector<1x2000x128xf32> to vector<2000x128xf32>
    %get3A_7 = arith.constant 0 : index
    %get3A_8 = arith.constant 0 : index
    %get3A_9 = arith.constant 0 : index
    %get3A_10 = vector.load %arg2[%get3A_7, %get3A_8, %get3A_9] : memref<1x2000x128xf32, #tpu.memory_space<vmem>>, vector<1x2000x128xf32>
    %get3A_11 = vector.shape_cast %get3A_10 : vector<1x2000x128xf32> to vector<2000x128xf32>
    %add3A = arith.addf %get3A_6, %get3A_11 : vector<2000x128xf32>
    %get3A_12 = arith.constant 0 : index
    %get3A_13 = arith.constant 0 : index
    %get3A_14 = vector.load %arg3[%get3A_12, %get3A_13] : memref<2000x128xf32, #tpu.memory_space<vmem>>, vector<2000x128xf32>
    %add3A_15 = arith.addf %add3A, %get3A_14 : vector<2000x128xf32>
    %mul3A = vector.broadcast %get3A_1 : vector<2000x1xf32> to vector<2000x128xf32>
    %mul3A_16 = arith.mulf %mul3A, %add3A_15 : vector<2000x128xf32>
    %get3A_17 = arith.constant 0 : index
    %get3A_18 = vector.load %arg5[%get3A_17] : memref<128xf32, #tpu.memory_space<vmem>>, vector<128xf32>
    %broadcast_in_dim3A = vector.shape_cast %get3A_18 : vector<128xf32> to vector<1x128xf32>
    %add3A_19 = vector.broadcast %broadcast_in_dim3A : vector<1x128xf32> to vector<2000x128xf32>
    %add3A_20 = arith.addf %mul3A_16, %add3A_19 : vector<2000x128xf32>
    %max3A = arith.constant 0.000000e+00 : f32
    %max3A_21 = vector.broadcast %max3A : f32 to vector<2000x128xf32>
    %max3A_22 = arith.maximumf %add3A_20, %max3A_21 : vector<2000x128xf32>
    %get3A_23 = arith.constant 0 : index
    %get3A_24 = arith.constant 0 : index
    %get3A_25 = vector.load %arg6[%get3A_23, %get3A_24] : memref<128x128xf32, #tpu.memory_space<vmem>>, vector<128x128xf32>
    %dot_general3A = arith.constant dense<0.000000e+00> : vector<2000x128xf32>
    %dot_general3A_26 = tpu.matmul %max3A_22, %get3A_25, %dot_general3A {dimension_numbers = #tpu.dot_dimension_numbers<[1], [0], [0], [1], [0, 0, 1, 1], [], []>, transpose_lhs_hint = false} : vector<2000x128xf32>, vector<128x128xf32>, vector<2000x128xf32> -> vector<2000x128xf32>
    %mul3A_27 = vector.broadcast %get3A_1 : vector<2000x1xf32> to vector<2000x128xf32>
    %mul3A_28 = arith.mulf %dot_general3A_26, %mul3A_27 : vector<2000x128xf32>
    %swap3A = arith.constant 0 : index
    %swap3A_29 = arith.constant 0 : index
    %swap3A_30 = vector.load %arg7[%swap3A, %swap3A_29] : memref<2000x128xf32, #tpu.memory_space<vmem>>, vector<2000x128xf32>
    tpu.vector_store %arg7[%swap3A, %swap3A_29], %mul3A_28 {strides = array<i32>} : memref<2000x128xf32, #tpu.memory_space<vmem>>, vector<2000x128xf32>,
    return
  }
  func.func @transform_0(%arg0: i32) -> (i32, i32, i32) {
    %c0_i32 = arith.constant 0 : i32
    %c0_i32_0 = arith.constant 0 : i32
    %c0_i32_1 = arith.constant 0 : i32
    return %c0_i32, %arg0, %c0_i32_0 : i32, i32, i32
  }
  func.func @transform_1(%arg0: i32) -> (i32, i32, i32) {
    %c1_i32 = arith.constant 1 : i32
    %c0_i32 = arith.constant 0 : i32
    %c0_i32_0 = arith.constant 0 : i32
    return %c1_i32, %arg0, %c0_i32 : i32, i32, i32
  }
  func.func @transform_2(%arg0: i32) -> (i32, i32) {
    %c0_i32 = arith.constant 0 : i32
    %c0_i32_0 = arith.constant 0 : i32
    return %arg0, %c0_i32 : i32, i32
  }
  func.func @transform_3(%arg0: i32) -> (i32, i32) {
    %c0_i32 = arith.constant 0 : i32
    %c0_i32_0 = arith.constant 0 : i32
    return %arg0, %c0_i32 : i32, i32
  }
  func.func @transform_4(%arg0: i32) -> i32 {
    %c0_i32 = arith.constant 0 : i32
    %c0_i32_0 = arith.constant 0 : i32
    return %c0_i32 : i32
  }
  func.func @transform_5(%arg0: i32) -> (i32, i32) {
    %c0_i32 = arith.constant 0 : i32
    %c0_i32_0 = arith.constant 0 : i32
    %c0_i32_1 = arith.constant 0 : i32
    return %c0_i32, %c0_i32_0 : i32, i32
  }
  func.func @transform_6(%arg0: i32) -> (i32, i32) {
    %c0_i32 = arith.constant 0 : i32
    %c0_i32_0 = arith.constant 0 : i32
    return %arg0, %c0_i32 : i32, i32
  }
}

module attributes {stable_mosaic.version = 14 : i64} {
  func.func @_tc3_body(%arg0: i32, %arg1: memref<1x2000x128xf32, #tpu.memory_space<vmem>>, %arg2: memref<1x2000x128xf32, #tpu.memory_space<vmem>>, %arg3: memref<2000x128xf32, #tpu.memory_space<vmem>>, %arg4: memref<2000x16xf32, #tpu.memory_space<vmem>>, %arg5: memref<128xf32, #tpu.memory_space<vmem>>, %arg6: memref<272x128xf32, #tpu.memory_space<vmem>>, %arg7: memref<2000x128xf32, #tpu.memory_space<vmem>>, %arg8: memref<2000x128xf32, #tpu.memory_space<vmem>>) attributes {dimension_semantics = [#tpu.dimension_semantics<arbitrary>], iteration_bounds = array<i64: 5>, scalar_prefetch = 0 : i64, scratch_operands = 0 : i64, tpu.core_type = #tpu.core_type<tc>, window_params = [{transform_indices = @transform_0, window_bounds = array<i64: 1, 2000, 128>}, {transform_indices = @transform_1, window_bounds = array<i64: 1, 2000, 128>}, {transform_indices = @transform_2, window_bounds = array<i64: 2000, 128>}, {transform_indices = @transform_3, window_bounds = array<i64: 2000, 16>}, {pipeline_mode = #tpu.pipeline_mode<synchronous>, transform_indices = @transform_4, window_bounds = array<i64: 128>}, {pipeline_mode = #tpu.pipeline_mode<synchronous>, transform_indices = @transform_5, window_bounds = array<i64: 272, 128>}, {transform_indices = @transform_6, window_bounds = array<i64: 2000, 128>}, {transform_indices = @transform_7, window_bounds = array<i64: 2000, 128>}]} {
    %get3A = arith.constant 0 : index
    %get3A_0 = arith.constant 0 : index
    %get3A_1 = vector.load %arg4[%get3A, %get3A_0] : memref<2000x16xf32, #tpu.memory_space<vmem>>, vector<2000x1xf32>
    %get3A_2 = arith.constant 0 : index
    %get3A_3 = arith.constant 0 : index
    %get3A_4 = arith.constant 0 : index
    %get3A_5 = vector.load %arg1[%get3A_2, %get3A_3, %get3A_4] : memref<1x2000x128xf32, #tpu.memory_space<vmem>>, vector<1x2000x128xf32>
    %get3A_6 = vector.shape_cast %get3A_5 : vector<1x2000x128xf32> to vector<2000x128xf32>
    %get3A_7 = arith.constant 0 : index
    %get3A_8 = arith.constant 0 : index
    %get3A_9 = arith.constant 0 : index
    %get3A_10 = vector.load %arg2[%get3A_7, %get3A_8, %get3A_9] : memref<1x2000x128xf32, #tpu.memory_space<vmem>>, vector<1x2000x128xf32>
    %get3A_11 = vector.shape_cast %get3A_10 : vector<1x2000x128xf32> to vector<2000x128xf32>
    %add3A = arith.addf %get3A_6, %get3A_11 : vector<2000x128xf32>
    %get3A_12 = arith.constant 0 : index
    %get3A_13 = arith.constant 0 : index
    %get3A_14 = vector.load %arg3[%get3A_12, %get3A_13] : memref<2000x128xf32, #tpu.memory_space<vmem>>, vector<2000x128xf32>
    %add3A_15 = arith.addf %add3A, %get3A_14 : vector<2000x128xf32>
    %mul3A = vector.broadcast %get3A_1 : vector<2000x1xf32> to vector<2000x128xf32>
    %mul3A_16 = arith.mulf %mul3A, %add3A_15 : vector<2000x128xf32>
    %get3A_17 = arith.constant 0 : index
    %get3A_18 = vector.load %arg5[%get3A_17] : memref<128xf32, #tpu.memory_space<vmem>>, vector<128xf32>
    %broadcast_in_dim3A = vector.shape_cast %get3A_18 : vector<128xf32> to vector<1x128xf32>
    %add3A_19 = vector.broadcast %broadcast_in_dim3A : vector<1x128xf32> to vector<2000x128xf32>
    %add3A_20 = arith.addf %mul3A_16, %add3A_19 : vector<2000x128xf32>
    %get3A_21 = arith.constant 0 : index
    %get3A_22 = arith.constant 0 : index
    %get3A_23 = vector.load %arg6[%get3A_21, %get3A_22] : memref<272x128xf32, #tpu.memory_space<vmem>>, vector<128x128xf32>
    %dot_general3A = arith.constant dense<0.000000e+00> : vector<2000x128xf32>
    %dot_general3A_24 = tpu.matmul %add3A_20, %get3A_23, %dot_general3A {dimension_numbers = #tpu.dot_dimension_numbers<[1], [0], [0], [1], [0, 0, 1, 1], [], []>, transpose_lhs_hint = false} : vector<2000x128xf32>, vector<128x128xf32>, vector<2000x128xf32> -> vector<2000x128xf32>
    %swap3A = arith.constant 0 : index
    %swap3A_25 = arith.constant 0 : index
    %swap3A_26 = vector.load %arg7[%swap3A, %swap3A_25] : memref<2000x128xf32, #tpu.memory_space<vmem>>, vector<2000x128xf32>
    tpu.vector_store %arg7[%swap3A, %swap3A_25], %dot_general3A_24 {strides = array<i32>} : memref<2000x128xf32, #tpu.memory_space<vmem>>, vector<2000x128xf32>,
    %get3A_27 = arith.constant 128 : index
    %get3A_28 = arith.constant 0 : index
    %get3A_29 = vector.load %arg6[%get3A_27, %get3A_28] : memref<272x128xf32, #tpu.memory_space<vmem>>, vector<128x128xf32>
    %dot_general3A_30 = arith.constant dense<0.000000e+00> : vector<2000x128xf32>
    %dot_general3A_31 = tpu.matmul %add3A_20, %get3A_29, %dot_general3A_30 {dimension_numbers = #tpu.dot_dimension_numbers<[1], [0], [0], [1], [0, 0, 1, 1], [], []>, transpose_lhs_hint = false} : vector<2000x128xf32>, vector<128x128xf32>, vector<2000x128xf32> -> vector<2000x128xf32>
    %swap3A_32 = arith.constant 0 : index
    %swap3A_33 = arith.constant 0 : index
    %swap3A_34 = vector.load %arg8[%swap3A_32, %swap3A_33] : memref<2000x128xf32, #tpu.memory_space<vmem>>, vector<2000x128xf32>
    tpu.vector_store %arg8[%swap3A_32, %swap3A_33], %dot_general3A_31 {strides = array<i32>} : memref<2000x128xf32, #tpu.memory_space<vmem>>, vector<2000x128xf32>,
    return
  }
  func.func @transform_0(%arg0: i32) -> (i32, i32, i32) {
    %c0_i32 = arith.constant 0 : i32
    %c0_i32_0 = arith.constant 0 : i32
    %c0_i32_1 = arith.constant 0 : i32
    return %c0_i32, %arg0, %c0_i32_0 : i32, i32, i32
  }
  func.func @transform_1(%arg0: i32) -> (i32, i32, i32) {
    %c1_i32 = arith.constant 1 : i32
    %c0_i32 = arith.constant 0 : i32
    %c0_i32_0 = arith.constant 0 : i32
    return %c1_i32, %arg0, %c0_i32 : i32, i32, i32
  }
  func.func @transform_2(%arg0: i32) -> (i32, i32) {
    %c0_i32 = arith.constant 0 : i32
    %c0_i32_0 = arith.constant 0 : i32
    return %arg0, %c0_i32 : i32, i32
  }
  func.func @transform_3(%arg0: i32) -> (i32, i32) {
    %c0_i32 = arith.constant 0 : i32
    %c0_i32_0 = arith.constant 0 : i32
    return %arg0, %c0_i32 : i32, i32
  }
  func.func @transform_4(%arg0: i32) -> i32 {
    %c0_i32 = arith.constant 0 : i32
    %c0_i32_0 = arith.constant 0 : i32
    return %c0_i32 : i32
  }
  func.func @transform_5(%arg0: i32) -> (i32, i32) {
    %c0_i32 = arith.constant 0 : i32
    %c0_i32_0 = arith.constant 0 : i32
    %c0_i32_1 = arith.constant 0 : i32
    return %c0_i32, %c0_i32_0 : i32, i32
  }
  func.func @transform_6(%arg0: i32) -> (i32, i32) {
    %c0_i32 = arith.constant 0 : i32
    %c0_i32_0 = arith.constant 0 : i32
    return %arg0, %c0_i32 : i32, i32
  }
  func.func @transform_7(%arg0: i32) -> (i32, i32) {
    %c0_i32 = arith.constant 0 : i32
    %c0_i32_0 = arith.constant 0 : i32
    return %arg0, %c0_i32 : i32, i32
  }
}

module attributes {stable_mosaic.version = 14 : i64} {
  func.func @_tc4_body(%arg0: i32, %arg1: memref<512x128xf32, #tpu.memory_space<vmem>>, %arg2: memref<512x128xf32, #tpu.memory_space<vmem>>, %arg3: memref<512x16xf32, #tpu.memory_space<vmem>>, %arg4: memref<16x128xf32, #tpu.memory_space<vmem>>, %arg5: memref<128xf32, #tpu.memory_space<vmem>>, %arg6: memref<128x1xf32, #tpu.memory_space<vmem>>, %arg7: memref<1xf32, #tpu.memory_space<vmem>>, %arg8: memref<512xf32, #tpu.memory_space<vmem>>) attributes {dimension_semantics = [#tpu.dimension_semantics<arbitrary>], iteration_bounds = array<i64: 632>, scalar_prefetch = 0 : i64, scratch_operands = 0 : i64, tpu.core_type = #tpu.core_type<tc>, window_params = [{transform_indices = @transform_0, window_bounds = array<i64: 512, 128>}, {transform_indices = @transform_1, window_bounds = array<i64: 512, 128>}, {transform_indices = @transform_2, window_bounds = array<i64: 512, 16>}, {pipeline_mode = #tpu.pipeline_mode<synchronous>, transform_indices = @transform_3, window_bounds = array<i64: 16, 128>}, {pipeline_mode = #tpu.pipeline_mode<synchronous>, transform_indices = @transform_4, window_bounds = array<i64: 128>}, {pipeline_mode = #tpu.pipeline_mode<synchronous>, transform_indices = @transform_5, window_bounds = array<i64: 128, 1>}, {pipeline_mode = #tpu.pipeline_mode<synchronous>, transform_indices = @transform_6, window_bounds = array<i64: 1>}, {transform_indices = @transform_7, window_bounds = array<i64: 512>}]} {
    %get3A = arith.constant 0 : index
    %get3A_0 = arith.constant 0 : index
    %get3A_1 = vector.load %arg1[%get3A, %get3A_0] : memref<512x128xf32, #tpu.memory_space<vmem>>, vector<512x128xf32>
    %get3A_2 = arith.constant 0 : index
    %get3A_3 = arith.constant 0 : index
    %get3A_4 = vector.load %arg2[%get3A_2, %get3A_3] : memref<512x128xf32, #tpu.memory_space<vmem>>, vector<512x128xf32>
    %add3A = arith.addf %get3A_1, %get3A_4 : vector<512x128xf32>
    %get3A_5 = arith.constant 0 : index
    %get3A_6 = arith.constant 0 : index
    %get3A_7 = vector.load %arg3[%get3A_5, %get3A_6] : memref<512x16xf32, #tpu.memory_space<vmem>>, vector<512x16xf32>
    %get3A_8 = arith.constant 0 : index
    %get3A_9 = arith.constant 0 : index
    %get3A_10 = vector.load %arg4[%get3A_8, %get3A_9] : memref<16x128xf32, #tpu.memory_space<vmem>>, vector<16x128xf32>
    %dot_general3A = arith.constant dense<0.000000e+00> : vector<512x128xf32>
    %dot_general3A_11 = tpu.matmul %get3A_7, %get3A_10, %dot_general3A {dimension_numbers = #tpu.dot_dimension_numbers<[1], [0], [0], [1], [0, 0, 1, 1], [], []>, transpose_lhs_hint = false} : vector<512x16xf32>, vector<16x128xf32>, vector<512x128xf32> -> vector<512x128xf32>
    %add3A_12 = arith.addf %add3A, %dot_general3A_11 : vector<512x128xf32>
    %get3A_13 = arith.constant 0 : index
    %get3A_14 = vector.load %arg5[%get3A_13] : memref<128xf32, #tpu.memory_space<vmem>>, vector<128xf32>
    %broadcast_in_dim3A = vector.shape_cast %get3A_14 : vector<128xf32> to vector<1x128xf32>
    %add3A_15 = vector.broadcast %broadcast_in_dim3A : vector<1x128xf32> to vector<512x128xf32>
    %add3A_16 = arith.addf %add3A_12, %add3A_15 : vector<512x128xf32>
    %max3A = arith.constant 0.000000e+00 : f32
    %max3A_17 = vector.broadcast %max3A : f32 to vector<512x128xf32>
    %max3A_18 = arith.maximumf %add3A_16, %max3A_17 : vector<512x128xf32>
    %get3A_19 = arith.constant 0 : index
    %get3A_20 = arith.constant 0 : index
    %get3A_21 = vector.load %arg6[%get3A_19, %get3A_20] : memref<128x1xf32, #tpu.memory_space<vmem>>, vector<128x1xf32>
    %dot_general3A_22 = arith.constant dense<0.000000e+00> : vector<512x1xf32>
    %dot_general3A_23 = tpu.matmul %max3A_18, %get3A_21, %dot_general3A_22 {dimension_numbers = #tpu.dot_dimension_numbers<[1], [0], [0], [1], [0, 0, 1, 1], [], []>, transpose_lhs_hint = false} : vector<512x128xf32>, vector<128x1xf32>, vector<512x1xf32> -> vector<512x1xf32>
    %squeeze3A = vector.shape_cast %dot_general3A_23 : vector<512x1xf32> to vector<512xf32>
    %get3A_24 = arith.constant 0 : index
    %get3A_25 = vector.load %arg7[%get3A_24] : memref<1xf32, #tpu.memory_space<vmem>>, vector<1xf32>
    %get3A_26 = vector.extract %get3A_25[0] : f32 from vector<1xf32>
    %add3A_27 = vector.broadcast %get3A_26 : f32 to vector<512xf32>
    %add3A_28 = arith.addf %squeeze3A, %add3A_27 : vector<512xf32>
    %swap3A = arith.constant 0 : index
    %swap3A_29 = vector.load %arg8[%swap3A] : memref<512xf32, #tpu.memory_space<vmem>>, vector<512xf32>
    tpu.vector_store %arg8[%swap3A], %add3A_28 {strides = array<i32>} : memref<512xf32, #tpu.memory_space<vmem>>, vector<512xf32>,
    return
  }
  func.func @transform_0(%arg0: i32) -> (i32, i32) {
    %c0_i32 = arith.constant 0 : i32
    %c0_i32_0 = arith.constant 0 : i32
    return %arg0, %c0_i32 : i32, i32
  }
  func.func @transform_1(%arg0: i32) -> (i32, i32) {
    %c0_i32 = arith.constant 0 : i32
    %c0_i32_0 = arith.constant 0 : i32
    return %arg0, %c0_i32 : i32, i32
  }
  func.func @transform_2(%arg0: i32) -> (i32, i32) {
    %c0_i32 = arith.constant 0 : i32
    %c0_i32_0 = arith.constant 0 : i32
    return %arg0, %c0_i32 : i32, i32
  }
  func.func @transform_3(%arg0: i32) -> (i32, i32) {
    %c0_i32 = arith.constant 0 : i32
    %c0_i32_0 = arith.constant 0 : i32
    %c0_i32_1 = arith.constant 0 : i32
    return %c0_i32, %c0_i32_0 : i32, i32
  }
  func.func @transform_4(%arg0: i32) -> i32 {
    %c0_i32 = arith.constant 0 : i32
    %c0_i32_0 = arith.constant 0 : i32
    return %c0_i32 : i32
  }
  func.func @transform_5(%arg0: i32) -> (i32, i32) {
    %c0_i32 = arith.constant 0 : i32
    %c0_i32_0 = arith.constant 0 : i32
    %c0_i32_1 = arith.constant 0 : i32
    return %c0_i32, %c0_i32_0 : i32, i32
  }
  func.func @transform_6(%arg0: i32) -> i32 {
    %c0_i32 = arith.constant 0 : i32
    %c0_i32_0 = arith.constant 0 : i32
    return %c0_i32 : i32
  }
  func.func @transform_7(%arg0: i32) -> i32 {
    %c0_i32 = arith.constant 0 : i32
    return %arg0 : i32
  }
}

</mosaic_0001>

<sc_bundles>
// kernel: kernel.10.cloned.1.call-start
scs
__scs_entry_jumppad:
0x0: {  	(pc) =	sbr.rel $0x88, $3  }
0x1: {  	(tag) =	ssettag $0x0;
	lr =	simm.s32 $0x1  }
0x2: {  	[smem:$0x3F96] =	sst lr;
	_ =	strace $0xD0000000  }
0x3: {  	_ = 	snop  }
0x4: {  	_ = 	snop  }
0x5: {  	_ = 	snop  }
0x6: {  	_ = 	snop  }
0x7: {  	_ = 	snop  }
__scs_overlays_trampoline_lowered:
0x8: {  	[smem:$0x3FA5] =	sst s0  }
0x9: {  	[smem:$0x3FA6] =	sst s1  }
0xa: {  	[smem:$0x3FA7] =	sst s2  }
0xb: {  	[smem:$0x3FA8] =	sst s3  }
0xc: {  	[smem:$0x3FA9] =	sst s4  }
0xd: {  	[smem:$0x3FAA] =	sst s5  }
0xe: {  	[smem:$0x3FAB] =	sst s6  }
0xf: {  	[smem:$0x3FAC] =	sst s7  }
0x10: {  	[smem:$0x3FAD] =	sst s8  }
0x11: {  	[smem:$0x3FAE] =	sst s9;
	s0 =	simm.s32 @!p0 $0x0  }
0x12: {  	s1 =	sld [smem:$0x3F94];
	s0 =	simm.s32 @p0 $0x1  }
0x13: {  	[smem:$0x3FAF] =	sst s0;
	s0 =	simm.s32 @!p1 $0x0  }
0x14: {  	s2 =	sld [smem:$0x3F93];
	s0 =	simm.s32 @p1 $0x1  }
0x15: {  	[smem:$0x3FB0] =	sst s0;
	s0 =	simm.s32 @!p2 $0x0  }
0x16: {  	s3 =	sld [smem:$0x3FDB];
	s0 =	simm.s32 @p2 $0x1  }
0x17: {  	s4 =	simm.s32 $0x1BF5;
	[smem:$0x3FB2] =	sst s0  }
0x18: {  	s0 =	sld [smem:$0x3F95];
	_ =	swait.ge [sflag:s4], $0x0  }
0x19: {  	s7 =	sld [smem:$0x3F96]  }
0x1a: {  	s8 =	sadd.s32 $0xFFFFE003, lr  }
0x1b: {  	s9 =	sadd.s32 $0xFFFFFEF7, lr;
	s5 =	simm.s32 $0xFFFFFFFF;
	p2 =	slt.u32 s8, $0xFFFFF086  }
0x1c: {  	p1 =	slt.u32 s9, $0xF7A;
	s5 =	simm.s32 @!p2 $0x0  }
0x1d: {  	s5 =	simm.s32 @p1 $0x1;
	p0 =	seq.s32 s7, s2  }
0x1e: {  	s7 =	smul.u32 @!p0 $0xF7A, s2;
	p2 =	seq.s32 @!p0 s5, $0x0  }
0x1f: {  	s9 =	smul.u32 $0xF7A, s1;
	s8 =	simm.s32 @!p0 $0x1BF5;
	p2 =	por !p2, p0  }
0x20: {  	[sflag:s8] =	ssyncset.s32 @!p0 $0xFFFFF086;
	s6 =	sadd.s32 @!p0 s3, s7;
	s7 =	simm.s32 @!p0 $0x108  }
0x21: {  	s3 =	sadd.s32 s3, s9;
	s6 =	sadd.s32 @!p0 $0x88, s6;
	s7 =	simm.s32 @p2 $0x1082  }
0x22: {  	[simem:s7], [sflag:s8] =	dma.local @!p0 [hbm:s6], $0xF7A  }
0x23: {  	s9 =	sor.u32 $0xD0000000, s2;
	s6 =	simm.s32 $0x108;
	_ =	swait.ge @!p0 [sflag:s8], $0x0  }
0x24: {  	s3 =	sadd.s32 $0x88, s3;
	s6 =	simm.s32 @!p1 $0x1082;
	[sflag:s4] =	ssyncset.s32 $0xFFFFF086  }
0x25: {  	[simem:s6], [sflag:s4] =	dma.local [hbm:s3], $0xF7A  }
0x26: {  	[smem:$0x3F96] =	sst s1;
	(tag) =	ssettag s2;
	_ =	strace s9  }
0x27: {  	s1 =	sld [smem:$0x3FA6]  }
0x28: {  	s2 =	sld [smem:$0x3FA7]  }
0x29: {  	s4 =	sld [smem:$0x3FA9]  }
0x2a: {  	p0 =	seq.s32 s5, $0x0;
	s5 =	sld [smem:$0x3FAA]  }
0x2b: {  	s6 =	sld [smem:$0x3FAB]  }
0x2c: {  	s7 =	sld [smem:$0x3FAC]  }
0x2d: {  	s3 =	simm.s32 $0x108;
	s8 =	sld [smem:$0x3FAD]  }
0x2e: {  	s3 =	simm.s32 @!p0 $0x1082;
	s9 =	sld [smem:$0x3FAE]  }
0x2f: {  	lr =	sadd.s32 s0, s3;
	s0 =	sld [smem:$0x3FA5]  }
0x30: {  	s3 =	sld [smem:$0x3FA8]  }
0x31: {  	[smem:$0x3FB1] =	sst s10  }
0x32: {  	s10 =	sld [smem:$0x3FAF];
	_ =	sdelay $0x3  }
0x33: {  	p0 =	seq.s32 s10, $0x1;
	s10 =	sld [smem:$0x3FB1];
	_ =	sdelay $0x3  }
0x34: {  	[smem:$0x3FB1] =	sst s10  }
0x35: {  	s10 =	sld [smem:$0x3FB0];
	_ =	sdelay $0x3  }
0x36: {  	p1 =	seq.s32 s10, $0x1;
	s10 =	sld [smem:$0x3FB1];
	_ =	sdelay $0x3  }
0x37: {  	[smem:$0x3FB1] =	sst s10  }
0x38: {  	s10 =	sld [smem:$0x3FB2]  }
0x39: {  	_ = 	snop;
	(pc) =	sbr.ind lr, $3  }
0x3a: {  	_ = 	snop  }
0x3b: {  	_ = 	snop  }
0x3c: {  	p2 =	seq.s32 s10, $0x1;
	s10 =	sld [smem:$0x3FB1]  }
0x3d: {  	_ =	shalt  }
0x3e: {  	_ =	shalt  }
0x3f: {  	_ =	shalt  }
0x40: {  	_ =	shalt  }
0x41: {  	_ =	shalt  }
0x42: {  	_ =	shalt  }
0x43: {  	_ =	shalt  }
0x44: {  	_ =	shalt  }
0x45: {  	_ =	shalt  }
0x46: {  	_ =	shalt  }
0x47: {  	_ =	shalt  }
0x48: {  	_ =	shalt  }
0x49: {  	_ =	shalt  }
0x4a: {  	_ =	shalt  }
0x4b: {  	_ =	shalt  }
0x4c: {  	_ =	shalt  }
0x4d: {  	_ =	shalt  }
0x4e: {  	_ =	shalt  }
0x4f: {  	_ =	shalt  }
0x50: {  	_ =	shalt  }
0x51: {  	_ =	shalt  }
0x52: {  	_ =	shalt  }
0x53: {  	_ =	shalt  }
0x54: {  	_ =	shalt  }
0x55: {  	_ =	shalt  }
0x56: {  	_ =	shalt  }
0x57: {  	_ =	shalt  }
0x58: {  	_ =	shalt  }
0x59: {  	_ =	shalt  }
0x5a: {  	_ =	shalt  }
0x5b: {  	_ =	shalt  }
0x5c: {  	_ =	shalt  }
0x5d: {  	_ =	shalt  }
0x5e: {  	_ =	shalt  }
0x5f: {  	_ =	shalt  }
0x60: {  	_ =	shalt  }
0x61: {  	_ =	shalt  }
0x62: {  	_ =	shalt  }
0x63: {  	_ =	shalt  }
0x64: {  	_ =	shalt  }
0x65: {  	_ =	shalt  }
0x66: {  	_ =	shalt  }
0x67: {  	_ =	shalt  }
0x68: {  	_ =	shalt  }
0x69: {  	_ =	shalt  }
0x6a: {  	_ =	shalt  }
0x6b: {  	_ =	shalt  }
0x6c: {  	_ =	shalt  }
0x6d: {  	_ =	shalt  }
0x6e: {  	_ =	shalt  }
0x6f: {  	_ =	shalt  }
0x70: {  	_ =	shalt  }
0x71: {  	_ =	shalt  }
0x72: {  	_ =	shalt  }
0x73: {  	_ =	shalt  }
0x74: {  	_ =	shalt  }
0x75: {  	_ =	shalt  }
0x76: {  	_ =	shalt  }
0x77: {  	_ =	shalt  }
0x78: {  	_ =	shalt  }
0x79: {  	_ =	shalt  }
0x7a: {  	_ =	shalt  }
0x7b: {  	_ =	shalt  }
0x7c: {  	_ =	shalt  }
0x7d: {  	_ =	shalt  }
0x7e: {  	_ =	shalt  }
0x7f: {  	_ =	shalt  }
0x80: {  	_ =	shalt  }
0x81: {  	_ =	shalt  }
0x82: {  	_ =	shalt  }
0x83: {  	_ =	shalt  }
0x84: {  	_ =	shalt  }
0x85: {  	_ =	shalt  }
0x86: {  	_ =	shalt  }
0x87: {  	_ =	shalt  }
.Lfunc_end0:
.L_simem_size_0:
called_computation_lowered:
.L_overlay_start_0:
0x88: {  	s2 =	sld [smem:$0x3FD9]  }
0x89: {  	s3 =	sld [smem:$0x3FFE];
	_ =	sdelay $0x1  }
0x8a: {  	s1 =	srdreg.scid  }
0x8b: {  	s0 =	sand.u32 $0x1, s1  }
0x8c: {  	s17 =	sshll.u32 s0, $0xA;
	s2 =	sadd.s32 s3, s2  }
0x8d: {  	s2 =	sadd.s32 s2, s17  }
0x8e: {  	[smem:$0x3FBD] =	sst s2  }
0x8f: {  	_ = 	snop  }
0x90: {  	s2 =	sld [smem:$0x3FD0];
	(tm) =	ssettm $0x1  }
0x91: {  	s18 =	sld [smem:$0x3FFB];
	_ =	sdelay $0x3  }
0x92: {  	_ =	strace s18  }
0x93: {  	s3 =	sld [smem:$0x3FFC];
	_ =	sdelay $0x3  }
0x94: {  	_ =	strace s3  }
0x95: {  	s3 =	sld [smem:$0x3FFD];
	_ =	sdelay $0x3  }
0x96: {  	_ =	strace s3  }
0x97: {  	_ =	strace $0x8FFFFFFF  }
0x98: {  	s19 =	sld [smem:$0x3FDB];
	_ =	sdelay $0x1  }
0x99: {  	s4 =	simm.s32 $_scs_section_size  }
0x9a: {  	s5 =	simm.s32 $_size__tile_overlayer_lowered;
	s6 =	simm.s32 $_tile_overlayer_lowered  }
0x9b: {  	s22 =	simm.s32 $0x1BFF;
	s21 =	sshll.u32 s6, $0x1;
	s3 =	sadd.s32 s4, s19  }
0x9c: {  	s7 =	simm.s32 $0x0;
	s20 =	sshll.u32 s5, $0x1;
	s5 =	sadd.s32 s21, s3  }
0x9d: {  	[timem:s7], [sflag:s22] =	dma.local [hbm:s5], s20  }
0x9e: {  	_ =	swait.ge [sflag:s22], s20  }
0x9f: {  	s4 =	ssub.s32 $0x0, s20;
	[sflag:s22] =	ssyncset.done $0x0  }
0xa0: {  	[sflag:s22] =	ssyncadd.s32 s4;
	_ =	sdelay $0x1  }
0xa1: {  	s23 =	simm.s32 $0x1B8B  }
0xa2: {  	_ =	swait.ge [sflag:s23], $0x1  }
0xa3: {  	[sflag:s23] =	ssyncset.done $0x0  }
0xa4: {  	s25 =	simm.s32 $0x1B8E;
	s24 =	sld [smem:$0x3FFE];
	[sflag:s23] =	ssyncadd.s32 $0xFFFFFFFF  }
0xa5: {  	s26 =	simm.s32 $execute0_lowered;
	[smem:$0x3FD2] =	sst s25  }
0xa6: {  	s5 =	sshll.u32 s26, $0x1;
	_ =	strace $0x80000046;
	[dreg:$0x1] =	wrdreg $0xFFFFFFFF  }
0xa7: {  	s28 =	simm.s32 $_size_execute0_lowered;
	s3 =	sadd.s32 s3, s5;
	[dreg:$0x0] =	wrdreg $0x0  }
0xa8: {  	s5 =	sshll.u32 s28, $0x1;
	[dreg:$0x2] =	wrdreg s3  }
0xa9: {  	[dreg:$0x3] =	wrdreg s5  }
0xaa: {  	[dreg:$0x4] =	wrdreg $0xC0  }
0xab: {  	_ =	task [dreg:s7], $0x5FFFF  }
0xac: {  	[dreg:$0x1] =	wrdreg $0xFFFFFFFF  }
0xad: {  	[dreg:$0x0] =	wrdreg $0x60  }
0xae: {  	[dreg:$0x2] =	wrdreg s24  }
0xaf: {  	[dreg:$0x3] =	wrdreg s2  }
0xb0: {  	[dreg:$0x4] =	wrdreg $0x68000  }
0xb1: {  	[dreg:$0x5] =	wrdreg $0x9  }
0xb2: {  	_ =	task.clear_ibuf [dreg:s7], $0x6FFFF;
	_ =	strace $0x90000046  }
0xb3: {  	s29 =	simm.s32 $0x9;
	_ =	strace $0x80000048  }
0xb4: {  	_ =	swait.ge [sflag:s29], $0x1  }
0xb5: {  	[sflag:s29] =	ssyncadd.s32 $0xFFFFFFFF  }
0xb6: {  	_ =	strace $0x90000048  }
0xb7: {  	_ =	sfence  }
0xb8: {  	s30 =	sld [smem:$0x0];
	_ =	sdelay $0x2  }
0xb9: {  	s31 =	sshll.u32 s1, $0xD;
	s1 =	sshrl.u32 s1, $0x2  }
0xba: {  	s3 =	sand.u32 $0x4000, s31;
	s1 =	sadd.s32 s1, s30  }
0xbb: {  	s0 =	sor.u32 s3, s0;
	s1 =	sshll.u32 s1, $0x11  }
0xbc: {  	s0 =	sor.u32 s1, s0  }
0xbd: {  	s0 =	sadd.s32 $0x8F2B, s0  }
0xbe: {  	[sflag:s0] =	ssyncadd.remote.s32 $0x1  }
0xbf: {  	_ =	sfence.sel $0xFFFF  }
0xc0: {  	[dreg:$0x0] =	wrdreg $0xFFFFFFFF;
	(pc) =	sbr.abs _section_cstart, $3  }
0xc1: {  	[dreg:$0x1] =	wrdreg $0xFFFFFFFF  }
0xc2: {  	_ =	task.clear_ibuf [dreg:s7], $0x2FFFF;
	_ =	strace $0x9FFFFFFF  }
0xc3: {  	(tm) =	ssettm $0x7FFFFFFF  }
tec
execute0_lowered:
.L_overlay_start_1:
0x0: {  	(tag) =	ssettag $0x1  }
0x1: {  	s6 =	rddreg [dreg:$0x0]  }
0x2: {  	s0 =	srdreg.scid;
	s2 =	rddreg [dreg:$0x1]  }
0x3: {  	s3 =	rddreg [dreg:$0x2];
	s1 =	stileid.u32  }
0x4: {  	s4 =	simm.s32 $0x0;
	s5 =	sand.u32 $0x1, s0;
	s0 =	rddreg [dreg:$0x3]  }
0x5: {  	s12 =	simm.s32 $0x80;
	[smem:$0x7FF] =	sst s4;
	s10 =	smul.u32 $0x4F000, s1  }
0x6: {  	s31 =	sshll.u32 s1, $0x6;
	s14 =	smul.u32 $0x2780, s1;
	s7 =	sshll.u32 s5, $0x4  }
0x7: {  	_ =	strace $0x80000047;
	s8 =	smul.u32 $0x27800, s5;
	s9 =	ssub.s32 $0x2, s5  }
0x8: {  	s5 =	sadd.s32 $0xEE00, s6;
	s7 =	sor.u32 s1, s7;
	s29 =	sshrl.u32 s9, $0x1  }
0x9: {  	s30 =	sshrl.u32 s10, $0x2;
	s10 =	simm.s32 $0x1;
	s7 =	smul.u32 $0x500, s7  }
0xa: {  	s8 =	sadd.s32 s8, s6;
	s9 =	ssub.s32 s9, s29;
	s11 =	sadd.s32 s30, s3  }
0xb: {  	s13 =	sadd.s32 $0xF600, s8;
	s8 =	smax.u32 s9, $0x1;
	s9 =	sshrl.u32 s11, $0x3  }
0xc: {  	s11 =	simm.s32 $0x2800;
	s7 =	sadd.s32 s7, s6;
	s6 =	sor.u32 $0x1C01, s31  }
0xd: {  	s13 =	sadd.s32 s14, s13;
	s14 =	simm.s32 $0x0;
	s7 =	sadd.s32 $0x4E00, s7  }
.LBB2_1:
0xe: {  	[spmem:s9], [sflag:s6] =	dma.local [hbm:s2], $0x2780  }
0xf: {  	_ =	swait.ge [sflag:s10], $0x2780  }
0x10: {  	[sflag:s10] =	ssyncset.done $0x0  }
0x11: {  	[sflag:s10] =	ssyncadd.s32 $0xFFFFD880  }
0x12: {  	[tilespmem:s11], [sflag:$0x1] =	stream.linear.gather [hbm4b:s5+s4], $0x4000, $0x38;
	[tilespmem:$0x1A400] =	vst v63  }
0x13: {  	_ =	swait.ge [sflag:s10], $0x4000  }
0x14: {  	[sflag:s10] =	ssyncset.done $0x0  }
0x15: {  	[sflag:s10] =	ssyncadd.s32 $0xFFFFC000  }
0x16: {  	[tilespmem:s4], [sflag:$0x1] =	stream.linear.gather [hbm4b:s7+s4], $0x2780, $0x38;
	[tilespmem:$0x1A400] =	vst v63  }
0x17: {  	_ =	swait.ge [sflag:s10], $0x2780  }
0x18: {  	[sflag:s10] =	ssyncset.done $0x0  }
0x19: {  	[sflag:s10] =	ssyncadd.s32 $0xFFFFD880  }
0x1a: {  	s15 =	simm.s32 $0x0;
	[bflag:$0x0] =	sbarrier.arrive $0xFFFF  }
0x1b: {  	[spmem:s3] =	stream.indirect.scatter.add.f32 [tilespmem:s11], [sflag:$0x1], $0x80, s15, s12, $0xb8;
	[tilespmem:$0x1A400] =	vst v63  }
0x1c: {  	_ =	swait.ge [sflag:s10], $0x4000  }
0x1d: {  	s15 =	simm.s32 $0x200;
	[sflag:s10] =	ssyncset.done $0x0  }
.LBB2_2:
0x1e: {  	s16 =	sshra.s32 s15, $0x2;
	[sflag:s10] =	ssyncadd.s32 $0xFFFFC000;
	p0 =	sne.s32 s15, $0x9C00  }
0x1f: {  	[spmem:s3] =	stream.indirect.scatter.add.f32 [tilespmem:s11], [sflag:$0x1], $0x80, s16, s12, $0xb8;
	[tilespmem:$0x1A400] =	vst v63  }
.Ltmp0:
0x20: {  	_ = 	snop;
	(pc) =	sbr.rel @p0 .LBB2_2-.Ltmp0, $4  }
0x21: {  	_ = 	snop  }
0x22: {  	s15 =	sadd.s32 $0x200, s15  }
0x23: {  	_ =	swait.ge [sflag:s10], $0x4000  }
0x24: {  	[sflag:s10] =	ssyncset.done $0x0  }
0x25: {  	s14 =	sadd.s32 $0x1, s14  }
0x26: {  	[sflag:s10] =	ssyncadd.s32 $0xFFFFC000;
	p0 =	sne.s32 s14, s8  }
.Ltmp1:
0x27: {  	[bflag:$0x0] =	sbarrier.arrive $0xFFFF;
	(pc) =	sbr.rel @p0 .LBB2_1-.Ltmp1, $4  }
0x28: {  	[hbm:s13], [sflag:s6] =	dma.local [spmem:s9], $0x2780  }
0x29: {  	_ =	swait.ge [sflag:s10], $0x2780  }
0x2a: {  	[sflag:s10] =	ssyncset.done $0x0  }
0x2b: {  	[sflag:s10] =	ssyncadd.s32 $0xFFFFD880  }
0x2c: {  	_ =	sfence.sel $0x180000  }
0x2d: {  	[bflag:$0x0] =	sbarrier.arrive $0xFFFF  }
0x2e: {  	p0 =	sne.s32 s1, $0x0;
	_ =	strace $0x90000047  }
0x2f: {  	s0 =	sadd.s32 @!p0 $0x100000, s0;
	[bflag:$0x2] =	sbarrier.arrive $0xFFFF  }
0x30: {  	[sflag:s0] =	ssyncadd.tile.s32 @!p0 $0x1;
	_ =	shalt  }
.Lfunc_end2:
_tile_overlayer_lowered:
.L_overlay_start_2:
0x31: {  	(tag) =	ssettag $0x2  }
0x32: {  	s0 =	rddreg [dreg:$0x0];
	s2 =	stileid.u32  }
0x33: {  	s1 =	rddreg [dreg:$0x1];
	p0 =	sne.s32 s2, $0x0  }
0x34: {  	s3 =	rddreg [dreg:$0x2];
	[bflag:$0x3] =	sbarrier.arrive $0xFFFF;
	s2 =	simm.s32 @!p0 $0x1C01  }
0x35: {  	[timem:s3], [sflag:s2] =	dma.local @!p0 [hbm:s0], s1  }
0x36: {  	s0 =	simm.s32 @!p0 $0x1  }
0x37: {  	_ =	swait.ge @!p0 [sflag:s0], s1  }
0x38: {  	s1 =	ssub.s32 @!p0 $0x0, s1;
	[sflag:s0] =	ssyncset.done @!p0 $0x0  }
0x39: {  	[sflag:s0] =	ssyncadd.s32 @!p0 s1  }
0x3a: {  	[bflag:$0x3] =	sbarrier.arrive $0xFFFF  }
0x3b: {  	_ =	shalt  }

// kernel: kernel.13.cloned.1.call-start
scs
__scs_entry_jumppad:
0x0: {  	(pc) =	sbr.rel $0x88, $3  }
0x1: {  	(tag) =	ssettag $0x0;
	lr =	simm.s32 $0x1  }
0x2: {  	[smem:$0x3F96] =	sst lr;
	_ =	strace $0xD0000000  }
0x3: {  	_ = 	snop  }
0x4: {  	_ = 	snop  }
0x5: {  	_ = 	snop  }
0x6: {  	_ = 	snop  }
0x7: {  	_ = 	snop  }
__scs_overlays_trampoline_lowered:
0x8: {  	[smem:$0x3FA5] =	sst s0  }
0x9: {  	[smem:$0x3FA6] =	sst s1  }
0xa: {  	[smem:$0x3FA7] =	sst s2  }
0xb: {  	[smem:$0x3FA8] =	sst s3  }
0xc: {  	[smem:$0x3FA9] =	sst s4  }
0xd: {  	[smem:$0x3FAA] =	sst s5  }
0xe: {  	[smem:$0x3FAB] =	sst s6  }
0xf: {  	[smem:$0x3FAC] =	sst s7  }
0x10: {  	[smem:$0x3FAD] =	sst s8  }
0x11: {  	[smem:$0x3FAE] =	sst s9;
	s0 =	simm.s32 @!p0 $0x0  }
0x12: {  	s1 =	sld [smem:$0x3F94];
	s0 =	simm.s32 @p0 $0x1  }
0x13: {  	[smem:$0x3FAF] =	sst s0;
	s0 =	simm.s32 @!p1 $0x0  }
0x14: {  	s2 =	sld [smem:$0x3F93];
	s0 =	simm.s32 @p1 $0x1  }
0x15: {  	[smem:$0x3FB0] =	sst s0;
	s0 =	simm.s32 @!p2 $0x0  }
0x16: {  	s3 =	sld [smem:$0x3FDB];
	s0 =	simm.s32 @p2 $0x1  }
0x17: {  	s4 =	simm.s32 $0x1BF5;
	[smem:$0x3FB2] =	sst s0  }
0x18: {  	s0 =	sld [smem:$0x3F95];
	_ =	swait.ge [sflag:s4], $0x0  }
0x19: {  	s7 =	sld [smem:$0x3F96]  }
0x1a: {  	s8 =	sadd.s32 $0xFFFFE003, lr  }
0x1b: {  	s9 =	sadd.s32 $0xFFFFFEF7, lr;
	s5 =	simm.s32 $0xFFFFFFFF;
	p2 =	slt.u32 s8, $0xFFFFF086  }
0x1c: {  	p1 =	slt.u32 s9, $0xF7A;
	s5 =	simm.s32 @!p2 $0x0  }
0x1d: {  	s5 =	simm.s32 @p1 $0x1;
	p0 =	seq.s32 s7, s2  }
0x1e: {  	s7 =	smul.u32 @!p0 $0xF7A, s2;
	p2 =	seq.s32 @!p0 s5, $0x0  }
0x1f: {  	s9 =	smul.u32 $0xF7A, s1;
	s8 =	simm.s32 @!p0 $0x1BF5;
	p2 =	por !p2, p0  }
0x20: {  	[sflag:s8] =	ssyncset.s32 @!p0 $0xFFFFF086;
	s6 =	sadd.s32 @!p0 s3, s7;
	s7 =	simm.s32 @!p0 $0x108  }
0x21: {  	s3 =	sadd.s32 s3, s9;
	s6 =	sadd.s32 @!p0 $0x88, s6;
	s7 =	simm.s32 @p2 $0x1082  }
0x22: {  	[simem:s7], [sflag:s8] =	dma.local @!p0 [hbm:s6], $0xF7A  }
0x23: {  	s9 =	sor.u32 $0xD0000000, s2;
	s6 =	simm.s32 $0x108;
	_ =	swait.ge @!p0 [sflag:s8], $0x0  }
0x24: {  	s3 =	sadd.s32 $0x88, s3;
	s6 =	simm.s32 @!p1 $0x1082;
	[sflag:s4] =	ssyncset.s32 $0xFFFFF086  }
0x25: {  	[simem:s6], [sflag:s4] =	dma.local [hbm:s3], $0xF7A  }
0x26: {  	[smem:$0x3F96] =	sst s1;
	(tag) =	ssettag s2;
	_ =	strace s9  }
0x27: {  	s1 =	sld [smem:$0x3FA6]  }
0x28: {  	s2 =	sld [smem:$0x3FA7]  }
0x29: {  	s4 =	sld [smem:$0x3FA9]  }
0x2a: {  	p0 =	seq.s32 s5, $0x0;
	s5 =	sld [smem:$0x3FAA]  }
0x2b: {  	s6 =	sld [smem:$0x3FAB]  }
0x2c: {  	s7 =	sld [smem:$0x3FAC]  }
0x2d: {  	s3 =	simm.s32 $0x108;
	s8 =	sld [smem:$0x3FAD]  }
0x2e: {  	s3 =	simm.s32 @!p0 $0x1082;
	s9 =	sld [smem:$0x3FAE]  }
0x2f: {  	lr =	sadd.s32 s0, s3;
	s0 =	sld [smem:$0x3FA5]  }
0x30: {  	s3 =	sld [smem:$0x3FA8]  }
0x31: {  	[smem:$0x3FB1] =	sst s10  }
0x32: {  	s10 =	sld [smem:$0x3FAF];
	_ =	sdelay $0x3  }
0x33: {  	p0 =	seq.s32 s10, $0x1;
	s10 =	sld [smem:$0x3FB1];
	_ =	sdelay $0x3  }
0x34: {  	[smem:$0x3FB1] =	sst s10  }
0x35: {  	s10 =	sld [smem:$0x3FB0];
	_ =	sdelay $0x3  }
0x36: {  	p1 =	seq.s32 s10, $0x1;
	s10 =	sld [smem:$0x3FB1];
	_ =	sdelay $0x3  }
0x37: {  	[smem:$0x3FB1] =	sst s10  }
0x38: {  	s10 =	sld [smem:$0x3FB2]  }
0x39: {  	_ = 	snop;
	(pc) =	sbr.ind lr, $3  }
0x3a: {  	_ = 	snop  }
0x3b: {  	_ = 	snop  }
0x3c: {  	p2 =	seq.s32 s10, $0x1;
	s10 =	sld [smem:$0x3FB1]  }
0x3d: {  	_ =	shalt  }
0x3e: {  	_ =	shalt  }
0x3f: {  	_ =	shalt  }
0x40: {  	_ =	shalt  }
0x41: {  	_ =	shalt  }
0x42: {  	_ =	shalt  }
0x43: {  	_ =	shalt  }
0x44: {  	_ =	shalt  }
0x45: {  	_ =	shalt  }
0x46: {  	_ =	shalt  }
0x47: {  	_ =	shalt  }
0x48: {  	_ =	shalt  }
0x49: {  	_ =	shalt  }
0x4a: {  	_ =	shalt  }
0x4b: {  	_ =	shalt  }
0x4c: {  	_ =	shalt  }
0x4d: {  	_ =	shalt  }
0x4e: {  	_ =	shalt  }
0x4f: {  	_ =	shalt  }
0x50: {  	_ =	shalt  }
0x51: {  	_ =	shalt  }
0x52: {  	_ =	shalt  }
0x53: {  	_ =	shalt  }
0x54: {  	_ =	shalt  }
0x55: {  	_ =	shalt  }
0x56: {  	_ =	shalt  }
0x57: {  	_ =	shalt  }
0x58: {  	_ =	shalt  }
0x59: {  	_ =	shalt  }
0x5a: {  	_ =	shalt  }
0x5b: {  	_ =	shalt  }
0x5c: {  	_ =	shalt  }
0x5d: {  	_ =	shalt  }
0x5e: {  	_ =	shalt  }
0x5f: {  	_ =	shalt  }
0x60: {  	_ =	shalt  }
0x61: {  	_ =	shalt  }
0x62: {  	_ =	shalt  }
0x63: {  	_ =	shalt  }
0x64: {  	_ =	shalt  }
0x65: {  	_ =	shalt  }
0x66: {  	_ =	shalt  }
0x67: {  	_ =	shalt  }
0x68: {  	_ =	shalt  }
0x69: {  	_ =	shalt  }
0x6a: {  	_ =	shalt  }
0x6b: {  	_ =	shalt  }
0x6c: {  	_ =	shalt  }
0x6d: {  	_ =	shalt  }
0x6e: {  	_ =	shalt  }
0x6f: {  	_ =	shalt  }
0x70: {  	_ =	shalt  }
0x71: {  	_ =	shalt  }
0x72: {  	_ =	shalt  }
0x73: {  	_ =	shalt  }
0x74: {  	_ =	shalt  }
0x75: {  	_ =	shalt  }
0x76: {  	_ =	shalt  }
0x77: {  	_ =	shalt  }
0x78: {  	_ =	shalt  }
0x79: {  	_ =	shalt  }
0x7a: {  	_ =	shalt  }
0x7b: {  	_ =	shalt  }
0x7c: {  	_ =	shalt  }
0x7d: {  	_ =	shalt  }
0x7e: {  	_ =	shalt  }
0x7f: {  	_ =	shalt  }
0x80: {  	_ =	shalt  }
0x81: {  	_ =	shalt  }
0x82: {  	_ =	shalt  }
0x83: {  	_ =	shalt  }
0x84: {  	_ =	shalt  }
0x85: {  	_ =	shalt  }
0x86: {  	_ =	shalt  }
0x87: {  	_ =	shalt  }
.Lfunc_end0:
.L_simem_size_0:
called_computation.1_lowered:
.L_overlay_start_0:
0x88: {  	s2 =	sld [smem:$0x3FD9]  }
0x89: {  	s3 =	sld [smem:$0x3FFE];
	_ =	sdelay $0x1  }
0x8a: {  	s1 =	srdreg.scid  }
0x8b: {  	s0 =	sand.u32 $0x1, s1  }
0x8c: {  	s17 =	sshll.u32 s0, $0xA;
	s2 =	sadd.s32 s3, s2  }
0x8d: {  	s2 =	sadd.s32 s2, s17  }
0x8e: {  	[smem:$0x3FBD] =	sst s2  }
0x8f: {  	_ = 	snop  }
0x90: {  	s2 =	sld [smem:$0x3FD0];
	(tm) =	ssettm $0x1  }
0x91: {  	s18 =	sld [smem:$0x3FFB];
	_ =	sdelay $0x3  }
0x92: {  	_ =	strace s18  }
0x93: {  	s3 =	sld [smem:$0x3FFC];
	_ =	sdelay $0x3  }
0x94: {  	_ =	strace s3  }
0x95: {  	s3 =	sld [smem:$0x3FFD];
	_ =	sdelay $0x3  }
0x96: {  	_ =	strace s3  }
0x97: {  	_ =	strace $0x8FFFFFFF  }
0x98: {  	s19 =	sld [smem:$0x3FDB];
	_ =	sdelay $0x1  }
0x99: {  	s4 =	simm.s32 $_scs_section_size  }
0x9a: {  	s5 =	simm.s32 $_size__tile_overlayer_lowered;
	s6 =	simm.s32 $_tile_overlayer_lowered  }
0x9b: {  	s22 =	simm.s32 $0x1BFF;
	s21 =	sshll.u32 s6, $0x1;
	s3 =	sadd.s32 s4, s19  }
0x9c: {  	s7 =	simm.s32 $0x0;
	s20 =	sshll.u32 s5, $0x1;
	s5 =	sadd.s32 s21, s3  }
0x9d: {  	[timem:s7], [sflag:s22] =	dma.local [hbm:s5], s20  }
0x9e: {  	_ =	swait.ge [sflag:s22], s20  }
0x9f: {  	s4 =	ssub.s32 $0x0, s20;
	[sflag:s22] =	ssyncset.done $0x0  }
0xa0: {  	[sflag:s22] =	ssyncadd.s32 s4;
	_ =	sdelay $0x1  }
0xa1: {  	s23 =	simm.s32 $0x1B8B  }
0xa2: {  	_ =	swait.ge [sflag:s23], $0x1  }
0xa3: {  	[sflag:s23] =	ssyncset.done $0x0  }
0xa4: {  	s25 =	simm.s32 $0x1B8E;
	s24 =	sld [smem:$0x3FFE];
	[sflag:s23] =	ssyncadd.s32 $0xFFFFFFFF  }
0xa5: {  	s26 =	simm.s32 $execute0_lowered;
	[smem:$0x3FD2] =	sst s25  }
0xa6: {  	s5 =	sshll.u32 s26, $0x1;
	_ =	strace $0x80000049;
	[dreg:$0x1] =	wrdreg $0xFFFFFFFF  }
0xa7: {  	s28 =	simm.s32 $_size_execute0_lowered;
	s3 =	sadd.s32 s3, s5;
	[dreg:$0x0] =	wrdreg $0x0  }
0xa8: {  	s5 =	sshll.u32 s28, $0x1;
	[dreg:$0x2] =	wrdreg s3  }
0xa9: {  	[dreg:$0x3] =	wrdreg s5  }
0xaa: {  	[dreg:$0x4] =	wrdreg $0xC0  }
0xab: {  	_ =	task [dreg:s7], $0x5FFFF  }
0xac: {  	[dreg:$0x1] =	wrdreg $0xFFFFFFFF  }
0xad: {  	[dreg:$0x0] =	wrdreg $0x60  }
0xae: {  	[dreg:$0x2] =	wrdreg s24  }
0xaf: {  	[dreg:$0x3] =	wrdreg s2  }
0xb0: {  	[dreg:$0x4] =	wrdreg $0x90000  }
0xb1: {  	[dreg:$0x5] =	wrdreg $0x9  }
0xb2: {  	_ =	task.clear_ibuf [dreg:s7], $0x6FFFF;
	_ =	strace $0x90000049  }
0xb3: {  	s29 =	simm.s32 $0x9;
	_ =	strace $0x8000004B  }
0xb4: {  	_ =	swait.ge [sflag:s29], $0x1  }
0xb5: {  	[sflag:s29] =	ssyncadd.s32 $0xFFFFFFFF  }
0xb6: {  	_ =	strace $0x9000004B  }
0xb7: {  	_ =	sfence  }
0xb8: {  	s30 =	sld [smem:$0x0];
	_ =	sdelay $0x2  }
0xb9: {  	s31 =	sshll.u32 s1, $0xD;
	s1 =	sshrl.u32 s1, $0x2  }
0xba: {  	s3 =	sand.u32 $0x4000, s31;
	s1 =	sadd.s32 s1, s30  }
0xbb: {  	s0 =	sor.u32 s3, s0;
	s1 =	sshll.u32 s1, $0x11  }
0xbc: {  	s0 =	sor.u32 s1, s0  }
0xbd: {  	s0 =	sadd.s32 $0x8F2B, s0  }
0xbe: {  	[sflag:s0] =	ssyncadd.remote.s32 $0x1  }
0xbf: {  	_ =	sfence.sel $0xFFFF  }
0xc0: {  	[dreg:$0x0] =	wrdreg $0xFFFFFFFF;
	(pc) =	sbr.abs _section_cstart, $3  }
0xc1: {  	[dreg:$0x1] =	wrdreg $0xFFFFFFFF  }
0xc2: {  	_ =	task.clear_ibuf [dreg:s7], $0x2FFFF;
	_ =	strace $0x9FFFFFFF  }
0xc3: {  	(tm) =	ssettm $0x7FFFFFFF  }
tec
execute0_lowered:
.L_overlay_start_1:
0x0: {  	(tag) =	ssettag $0x1  }
0x1: {  	s6 =	rddreg [dreg:$0x0]  }
0x2: {  	s2 =	rddreg [dreg:$0x1]  }
0x3: {  	s0 =	srdreg.scid;
	s3 =	rddreg [dreg:$0x2]  }
0x4: {  	s4 =	simm.s32 $0x0;
	s13 =	simm.s32 $0x80;
	s7 =	sand.u32 $0x1, s0  }
0x5: {  	s14 =	simm.s32 $0x5000;
	s0 =	stileid.u32;
	s9 =	smul.u32 $0x27800, s7  }
0x6: {  	[smem:$0x7FF] =	sst s4;
	s1 =	sshll.u32 s7, $0x4;
	s10 =	smul.u32 $0x4F000, s0  }
0x7: {  	s31 =	ssub.s32 $0x2, s7;
	s11 =	sshll.u32 s0, $0x6;
	s16 =	smul.u32 $0x2780, s0  }
0x8: {  	s5 =	sor.u32 s0, s1;
	s1 =	rddreg [dreg:$0x3];
	_ =	strace $0x8000004A  }
0x9: {  	s7 =	sshrl.u32 s31, $0x1;
	s8 =	smul.u32 $0x500, s5;
	s5 =	sadd.s32 $0xEE00, s6  }
0xa: {  	s9 =	sadd.s32 s9, s6;
	s10 =	sshrl.u32 s10, $0x2;
	s12 =	ssub.s32 s31, s7  }
0xb: {  	s10 =	sadd.s32 s10, s3;
	s15 =	sadd.s32 $0x68600, s9;
	s9 =	smax.u32 s12, $0x1  }
0xc: {  	s12 =	simm.s32 $0x2800;
	s8 =	sadd.s32 s8, s6;
	s6 =	sor.u32 $0x1C01, s11  }
0xd: {  	s10 =	sshrl.u32 s10, $0x3;
	s11 =	simm.s32 $0x1;
	s15 =	sadd.s32 s16, s15  }
0xe: {  	s16 =	simm.s32 $0x0;
	s7 =	sadd.s32 $0x5E600, s8;
	s8 =	sadd.s32 $0x4E00, s8  }
.LBB2_1:
0xf: {  	[spmem:s10], [sflag:s6] =	dma.local [hbm:s2], $0x2780  }
0x10: {  	_ =	swait.ge [sflag:s11], $0x2780  }
0x11: {  	[sflag:s11] =	ssyncset.done $0x0  }
0x12: {  	[sflag:s11] =	ssyncadd.s32 $0xFFFFD880  }
0x13: {  	[tilespmem:s4], [sflag:$0x1] =	stream.linear.gather [hbm4b:s7+s4], $0x2780, $0x38;
	[tilespmem:$0x1CC00] =	vst v63  }
0x14: {  	_ =	swait.ge [sflag:s11], $0x2780  }
0x15: {  	[sflag:s11] =	ssyncset.done $0x0  }
0x16: {  	[sflag:s11] =	ssyncadd.s32 $0xFFFFD880  }
0x17: {  	[tilespmem:s12], [sflag:$0x1] =	stream.linear.gather [hbm4b:s8+s4], $0x2780, $0x38;
	[tilespmem:$0x1CC00] =	vst v63  }
0x18: {  	_ =	swait.ge [sflag:s11], $0x2780  }
0x19: {  	[sflag:s11] =	ssyncset.done $0x0  }
0x1a: {  	[sflag:s11] =	ssyncadd.s32 $0xFFFFD880  }
0x1b: {  	s17 =	simm.s32 $0x0;
	[bflag:$0x0] =	sbarrier.arrive $0xFFFF  }
0x1c: {  	[tilespmem:s14], [sflag:$0x1] =	stream.indirect.gather [hbm4b:s5+s13], $0x80, s17, s13, $0xb8;
	[tilespmem:$0x1CC00] =	vst v63  }
0x1d: {  	_ =	swait.ge [sflag:s11], $0x4000  }
0x1e: {  	[sflag:s11] =	ssyncset.done $0x0  }
0x1f: {  	s31 =	simm.s32 $0x2800;
	[sflag:s11] =	ssyncadd.s32 $0xFFFFC000  }
0x20: {  	[spmem:s3] =	stream.indirect.scatter.add.f32 [tilespmem:s14], [sflag:$0x1], $0x80, s31, s13, $0xb8;
	[tilespmem:$0x1CC00] =	vst v63  }
0x21: {  	_ =	swait.ge [sflag:s11], $0x4000  }
0x22: {  	s18 =	simm.s32 $0x400;
	s17 =	simm.s32 $0x200;
	[sflag:s11] =	ssyncset.done $0x0  }
.LBB2_2:
0x23: {  	s19 =	sshra.s32 s17, $0x2  }
0x24: {  	[sflag:s11] =	ssyncadd.s32 $0xFFFFC000;
	s17 =	smov.u32 s18;
	s20 =	sadd.s32 $0x200, s18  }
0x25: {  	[tilespmem:s14], [sflag:$0x1] =	stream.indirect.gather [hbm4b:s5+s13], $0x80, s19, s13, $0xb8;
	[tilespmem:$0x1CC00] =	vst v63  }
0x26: {  	p0 =	sne.s32 s18, $0x9C00;
	_ =	swait.ge [sflag:s11], $0x4000  }
.Ltmp0:
0x27: {  	[sflag:s11] =	ssyncset.done $0x0;
	(pc) =	sbr.rel @p0 .LBB2_2-.Ltmp0, $4  }
0x28: {  	s18 =	sadd.s32 $0x2800, s19;
	[sflag:s11] =	ssyncadd.s32 $0xFFFFC000  }
0x29: {  	[spmem:s3] =	stream.indirect.scatter.add.f32 [tilespmem:s14], [sflag:$0x1], $0x80, s18, s13, $0xb8;
	[tilespmem:$0x1CC00] =	vst v63  }
0x2a: {  	_ =	swait.ge [sflag:s11], $0x4000  }
0x2b: {  	s18 =	smov.u32 s20;
	[sflag:s11] =	ssyncset.done $0x0  }
0x2c: {  	s17 =	sshra.s32 s17, $0x2;
	[sflag:s11] =	ssyncadd.s32 $0xFFFFC000  }
0x2d: {  	[tilespmem:s14], [sflag:$0x1] =	stream.indirect.gather [hbm4b:s5+s13], $0x80, s17, s13, $0xb8;
	[tilespmem:$0x1CC00] =	vst v63  }
0x2e: {  	_ =	swait.ge [sflag:s11], $0x4000  }
0x2f: {  	[sflag:s11] =	ssyncset.done $0x0  }
0x30: {  	s17 =	sadd.s32 $0x2800, s17;
	[sflag:s11] =	ssyncadd.s32 $0xFFFFC000  }
0x31: {  	[spmem:s3] =	stream.indirect.scatter.add.f32 [tilespmem:s14], [sflag:$0x1], $0x80, s17, s13, $0xb8;
	[tilespmem:$0x1CC00] =	vst v63  }
0x32: {  	_ =	swait.ge [sflag:s11], $0x4000  }
0x33: {  	s16 =	sadd.s32 $0x1, s16;
	[sflag:s11] =	ssyncset.done $0x0  }
0x34: {  	p0 =	sne.s32 s16, s9;
	[sflag:s11] =	ssyncadd.s32 $0xFFFFC000  }
.Ltmp1:
0x35: {  	[bflag:$0x0] =	sbarrier.arrive $0xFFFF;
	(pc) =	sbr.rel @p0 .LBB2_1-.Ltmp1, $4  }
0x36: {  	[hbm:s15], [sflag:s6] =	dma.local [spmem:s10], $0x2780  }
0x37: {  	_ =	swait.ge [sflag:s11], $0x2780  }
0x38: {  	[sflag:s11] =	ssyncset.done $0x0  }
0x39: {  	[sflag:s11] =	ssyncadd.s32 $0xFFFFD880  }
0x3a: {  	_ =	sfence.sel $0x180000  }
0x3b: {  	[bflag:$0x0] =	sbarrier.arrive $0xFFFF  }
0x3c: {  	p0 =	sne.s32 s0, $0x0;
	_ =	strace $0x9000004A  }
0x3d: {  	s0 =	sadd.s32 @!p0 $0x100000, s1;
	[bflag:$0x2] =	sbarrier.arrive $0xFFFF  }
0x3e: {  	[sflag:s0] =	ssyncadd.tile.s32 @!p0 $0x1;
	_ =	shalt  }
.Lfunc_end2:
_tile_overlayer_lowered:
.L_overlay_start_2:
0x3f: {  	(tag) =	ssettag $0x2  }
0x40: {  	s0 =	rddreg [dreg:$0x0];
	s2 =	stileid.u32  }
0x41: {  	s1 =	rddreg [dreg:$0x1];
	p0 =	sne.s32 s2, $0x0  }
0x42: {  	s3 =	rddreg [dreg:$0x2];
	[bflag:$0x3] =	sbarrier.arrive $0xFFFF;
	s2 =	simm.s32 @!p0 $0x1C01  }
0x43: {  	[timem:s3], [sflag:s2] =	dma.local @!p0 [hbm:s0], s1  }
0x44: {  	s0 =	simm.s32 @!p0 $0x1  }
0x45: {  	_ =	swait.ge @!p0 [sflag:s0], s1  }
0x46: {  	s1 =	ssub.s32 @!p0 $0x0, s1;
	[sflag:s0] =	ssyncset.done @!p0 $0x0  }
0x47: {  	[sflag:s0] =	ssyncadd.s32 @!p0 s1  }
0x48: {  	[bflag:$0x3] =	sbarrier.arrive $0xFFFF  }
0x49: {  	_ =	shalt  }

// kernel: kernel.16.cloned.1.call-start
scs
__scs_entry_jumppad:
0x0: {  	(pc) =	sbr.rel $0x88, $3  }
0x1: {  	(tag) =	ssettag $0x0;
	lr =	simm.s32 $0x1  }
0x2: {  	[smem:$0x3F96] =	sst lr;
	_ =	strace $0xD0000000  }
0x3: {  	_ = 	snop  }
0x4: {  	_ = 	snop  }
0x5: {  	_ = 	snop  }
0x6: {  	_ = 	snop  }
0x7: {  	_ = 	snop  }
__scs_overlays_trampoline_lowered:
0x8: {  	[smem:$0x3FA5] =	sst s0  }
0x9: {  	[smem:$0x3FA6] =	sst s1  }
0xa: {  	[smem:$0x3FA7] =	sst s2  }
0xb: {  	[smem:$0x3FA8] =	sst s3  }
0xc: {  	[smem:$0x3FA9] =	sst s4  }
0xd: {  	[smem:$0x3FAA] =	sst s5  }
0xe: {  	[smem:$0x3FAB] =	sst s6  }
0xf: {  	[smem:$0x3FAC] =	sst s7  }
0x10: {  	[smem:$0x3FAD] =	sst s8  }
0x11: {  	[smem:$0x3FAE] =	sst s9;
	s0 =	simm.s32 @!p0 $0x0  }
0x12: {  	s1 =	sld [smem:$0x3F94];
	s0 =	simm.s32 @p0 $0x1  }
0x13: {  	[smem:$0x3FAF] =	sst s0;
	s0 =	simm.s32 @!p1 $0x0  }
0x14: {  	s2 =	sld [smem:$0x3F93];
	s0 =	simm.s32 @p1 $0x1  }
0x15: {  	[smem:$0x3FB0] =	sst s0;
	s0 =	simm.s32 @!p2 $0x0  }
0x16: {  	s3 =	sld [smem:$0x3FDB];
	s0 =	simm.s32 @p2 $0x1  }
0x17: {  	s4 =	simm.s32 $0x1BF5;
	[smem:$0x3FB2] =	sst s0  }
0x18: {  	s0 =	sld [smem:$0x3F95];
	_ =	swait.ge [sflag:s4], $0x0  }
0x19: {  	s7 =	sld [smem:$0x3F96]  }
0x1a: {  	s8 =	sadd.s32 $0xFFFFE003, lr  }
0x1b: {  	s9 =	sadd.s32 $0xFFFFFEF7, lr;
	s5 =	simm.s32 $0xFFFFFFFF;
	p2 =	slt.u32 s8, $0xFFFFF086  }
0x1c: {  	p1 =	slt.u32 s9, $0xF7A;
	s5 =	simm.s32 @!p2 $0x0  }
0x1d: {  	s5 =	simm.s32 @p1 $0x1;
	p0 =	seq.s32 s7, s2  }
0x1e: {  	s7 =	smul.u32 @!p0 $0xF7A, s2;
	p2 =	seq.s32 @!p0 s5, $0x0  }
0x1f: {  	s9 =	smul.u32 $0xF7A, s1;
	s8 =	simm.s32 @!p0 $0x1BF5;
	p2 =	por !p2, p0  }
0x20: {  	[sflag:s8] =	ssyncset.s32 @!p0 $0xFFFFF086;
	s6 =	sadd.s32 @!p0 s3, s7;
	s7 =	simm.s32 @!p0 $0x108  }
0x21: {  	s3 =	sadd.s32 s3, s9;
	s6 =	sadd.s32 @!p0 $0x88, s6;
	s7 =	simm.s32 @p2 $0x1082  }
0x22: {  	[simem:s7], [sflag:s8] =	dma.local @!p0 [hbm:s6], $0xF7A  }
0x23: {  	s9 =	sor.u32 $0xD0000000, s2;
	s6 =	simm.s32 $0x108;
	_ =	swait.ge @!p0 [sflag:s8], $0x0  }
0x24: {  	s3 =	sadd.s32 $0x88, s3;
	s6 =	simm.s32 @!p1 $0x1082;
	[sflag:s4] =	ssyncset.s32 $0xFFFFF086  }
0x25: {  	[simem:s6], [sflag:s4] =	dma.local [hbm:s3], $0xF7A  }
0x26: {  	[smem:$0x3F96] =	sst s1;
	(tag) =	ssettag s2;
	_ =	strace s9  }
0x27: {  	s1 =	sld [smem:$0x3FA6]  }
0x28: {  	s2 =	sld [smem:$0x3FA7]  }
0x29: {  	s4 =	sld [smem:$0x3FA9]  }
0x2a: {  	p0 =	seq.s32 s5, $0x0;
	s5 =	sld [smem:$0x3FAA]  }
0x2b: {  	s6 =	sld [smem:$0x3FAB]  }
0x2c: {  	s7 =	sld [smem:$0x3FAC]  }
0x2d: {  	s3 =	simm.s32 $0x108;
	s8 =	sld [smem:$0x3FAD]  }
0x2e: {  	s3 =	simm.s32 @!p0 $0x1082;
	s9 =	sld [smem:$0x3FAE]  }
0x2f: {  	lr =	sadd.s32 s0, s3;
	s0 =	sld [smem:$0x3FA5]  }
0x30: {  	s3 =	sld [smem:$0x3FA8]  }
0x31: {  	[smem:$0x3FB1] =	sst s10  }
0x32: {  	s10 =	sld [smem:$0x3FAF];
	_ =	sdelay $0x3  }
0x33: {  	p0 =	seq.s32 s10, $0x1;
	s10 =	sld [smem:$0x3FB1];
	_ =	sdelay $0x3  }
0x34: {  	[smem:$0x3FB1] =	sst s10  }
0x35: {  	s10 =	sld [smem:$0x3FB0];
	_ =	sdelay $0x3  }
0x36: {  	p1 =	seq.s32 s10, $0x1;
	s10 =	sld [smem:$0x3FB1];
	_ =	sdelay $0x3  }
0x37: {  	[smem:$0x3FB1] =	sst s10  }
0x38: {  	s10 =	sld [smem:$0x3FB2]  }
0x39: {  	_ = 	snop;
	(pc) =	sbr.ind lr, $3  }
0x3a: {  	_ = 	snop  }
0x3b: {  	_ = 	snop  }
0x3c: {  	p2 =	seq.s32 s10, $0x1;
	s10 =	sld [smem:$0x3FB1]  }
0x3d: {  	_ =	shalt  }
0x3e: {  	_ =	shalt  }
0x3f: {  	_ =	shalt  }
0x40: {  	_ =	shalt  }
0x41: {  	_ =	shalt  }
0x42: {  	_ =	shalt  }
0x43: {  	_ =	shalt  }
0x44: {  	_ =	shalt  }
0x45: {  	_ =	shalt  }
0x46: {  	_ =	shalt  }
0x47: {  	_ =	shalt  }
0x48: {  	_ =	shalt  }
0x49: {  	_ =	shalt  }
0x4a: {  	_ =	shalt  }
0x4b: {  	_ =	shalt  }
0x4c: {  	_ =	shalt  }
0x4d: {  	_ =	shalt  }
0x4e: {  	_ =	shalt  }
0x4f: {  	_ =	shalt  }
0x50: {  	_ =	shalt  }
0x51: {  	_ =	shalt  }
0x52: {  	_ =	shalt  }
0x53: {  	_ =	shalt  }
0x54: {  	_ =	shalt  }
0x55: {  	_ =	shalt  }
0x56: {  	_ =	shalt  }
0x57: {  	_ =	shalt  }
0x58: {  	_ =	shalt  }
0x59: {  	_ =	shalt  }
0x5a: {  	_ =	shalt  }
0x5b: {  	_ =	shalt  }
0x5c: {  	_ =	shalt  }
0x5d: {  	_ =	shalt  }
0x5e: {  	_ =	shalt  }
0x5f: {  	_ =	shalt  }
0x60: {  	_ =	shalt  }
0x61: {  	_ =	shalt  }
0x62: {  	_ =	shalt  }
0x63: {  	_ =	shalt  }
0x64: {  	_ =	shalt  }
0x65: {  	_ =	shalt  }
0x66: {  	_ =	shalt  }
0x67: {  	_ =	shalt  }
0x68: {  	_ =	shalt  }
0x69: {  	_ =	shalt  }
0x6a: {  	_ =	shalt  }
0x6b: {  	_ =	shalt  }
0x6c: {  	_ =	shalt  }
0x6d: {  	_ =	shalt  }
0x6e: {  	_ =	shalt  }
0x6f: {  	_ =	shalt  }
0x70: {  	_ =	shalt  }
0x71: {  	_ =	shalt  }
0x72: {  	_ =	shalt  }
0x73: {  	_ =	shalt  }
0x74: {  	_ =	shalt  }
0x75: {  	_ =	shalt  }
0x76: {  	_ =	shalt  }
0x77: {  	_ =	shalt  }
0x78: {  	_ =	shalt  }
0x79: {  	_ =	shalt  }
0x7a: {  	_ =	shalt  }
0x7b: {  	_ =	shalt  }
0x7c: {  	_ =	shalt  }
0x7d: {  	_ =	shalt  }
0x7e: {  	_ =	shalt  }
0x7f: {  	_ =	shalt  }
0x80: {  	_ =	shalt  }
0x81: {  	_ =	shalt  }
0x82: {  	_ =	shalt  }
0x83: {  	_ =	shalt  }
0x84: {  	_ =	shalt  }
0x85: {  	_ =	shalt  }
0x86: {  	_ =	shalt  }
0x87: {  	_ =	shalt  }
.Lfunc_end0:
.L_simem_size_0:
called_computation.2_lowered:
.L_overlay_start_0:
0x88: {  	s2 =	sld [smem:$0x3FD9]  }
0x89: {  	s3 =	sld [smem:$0x3FFE];
	_ =	sdelay $0x1  }
0x8a: {  	s1 =	srdreg.scid  }
0x8b: {  	s0 =	sand.u32 $0x1, s1  }
0x8c: {  	s17 =	sshll.u32 s0, $0xA;
	s2 =	sadd.s32 s3, s2  }
0x8d: {  	s2 =	sadd.s32 s2, s17  }
0x8e: {  	[smem:$0x3FBD] =	sst s2  }
0x8f: {  	_ = 	snop  }
0x90: {  	s2 =	sld [smem:$0x3FD0];
	(tm) =	ssettm $0x1  }
0x91: {  	s18 =	sld [smem:$0x3FFB];
	_ =	sdelay $0x3  }
0x92: {  	_ =	strace s18  }
0x93: {  	s3 =	sld [smem:$0x3FFC];
	_ =	sdelay $0x3  }
0x94: {  	_ =	strace s3  }
0x95: {  	s3 =	sld [smem:$0x3FFD];
	_ =	sdelay $0x3  }
0x96: {  	_ =	strace s3  }
0x97: {  	_ =	strace $0x8FFFFFFF  }
0x98: {  	s19 =	sld [smem:$0x3FDB];
	_ =	sdelay $0x1  }
0x99: {  	s4 =	simm.s32 $_scs_section_size  }
0x9a: {  	s5 =	simm.s32 $_size__tile_overlayer_lowered;
	s6 =	simm.s32 $_tile_overlayer_lowered  }
0x9b: {  	s22 =	simm.s32 $0x1BFF;
	s21 =	sshll.u32 s6, $0x1;
	s3 =	sadd.s32 s4, s19  }
0x9c: {  	s7 =	simm.s32 $0x0;
	s20 =	sshll.u32 s5, $0x1;
	s5 =	sadd.s32 s21, s3  }
0x9d: {  	[timem:s7], [sflag:s22] =	dma.local [hbm:s5], s20  }
0x9e: {  	_ =	swait.ge [sflag:s22], s20  }
0x9f: {  	s4 =	ssub.s32 $0x0, s20;
	[sflag:s22] =	ssyncset.done $0x0  }
0xa0: {  	[sflag:s22] =	ssyncadd.s32 s4;
	_ =	sdelay $0x1  }
0xa1: {  	s23 =	simm.s32 $0x1B8B  }
0xa2: {  	_ =	swait.ge [sflag:s23], $0x1  }
0xa3: {  	[sflag:s23] =	ssyncset.done $0x0  }
0xa4: {  	s25 =	simm.s32 $0x1B8E;
	s24 =	sld [smem:$0x3FFE];
	[sflag:s23] =	ssyncadd.s32 $0xFFFFFFFF  }
0xa5: {  	s26 =	simm.s32 $execute0_lowered;
	[smem:$0x3FD2] =	sst s25  }
0xa6: {  	s5 =	sshll.u32 s26, $0x1;
	_ =	strace $0x8000004C;
	[dreg:$0x1] =	wrdreg $0xFFFFFFFF  }
0xa7: {  	s28 =	simm.s32 $_size_execute0_lowered;
	s3 =	sadd.s32 s3, s5;
	[dreg:$0x0] =	wrdreg $0x0  }
0xa8: {  	s5 =	sshll.u32 s28, $0x1;
	[dreg:$0x2] =	wrdreg s3  }
0xa9: {  	[dreg:$0x3] =	wrdreg s5  }
0xaa: {  	[dreg:$0x4] =	wrdreg $0xC0  }
0xab: {  	_ =	task [dreg:s7], $0x5FFFF  }
0xac: {  	[dreg:$0x1] =	wrdreg $0xFFFFFFFF  }
0xad: {  	[dreg:$0x0] =	wrdreg $0x60  }
0xae: {  	[dreg:$0x2] =	wrdreg s24  }
0xaf: {  	[dreg:$0x3] =	wrdreg s2  }
0xb0: {  	[dreg:$0x4] =	wrdreg $0x90000  }
0xb1: {  	[dreg:$0x5] =	wrdreg $0x9  }
0xb2: {  	_ =	task.clear_ibuf [dreg:s7], $0x6FFFF;
	_ =	strace $0x9000004C  }
0xb3: {  	s29 =	simm.s32 $0x9;
	_ =	strace $0x8000004E  }
0xb4: {  	_ =	swait.ge [sflag:s29], $0x1  }
0xb5: {  	[sflag:s29] =	ssyncadd.s32 $0xFFFFFFFF  }
0xb6: {  	_ =	strace $0x9000004E  }
0xb7: {  	_ =	sfence  }
0xb8: {  	s30 =	sld [smem:$0x0];
	_ =	sdelay $0x2  }
0xb9: {  	s31 =	sshll.u32 s1, $0xD;
	s1 =	sshrl.u32 s1, $0x2  }
0xba: {  	s3 =	sand.u32 $0x4000, s31;
	s1 =	sadd.s32 s1, s30  }
0xbb: {  	s0 =	sor.u32 s3, s0;
	s1 =	sshll.u32 s1, $0x11  }
0xbc: {  	s0 =	sor.u32 s1, s0  }
0xbd: {  	s0 =	sadd.s32 $0x8F2B, s0  }
0xbe: {  	[sflag:s0] =	ssyncadd.remote.s32 $0x1  }
0xbf: {  	_ =	sfence.sel $0xFFFF  }
0xc0: {  	[dreg:$0x0] =	wrdreg $0xFFFFFFFF;
	(pc) =	sbr.abs _section_cstart, $3  }
0xc1: {  	[dreg:$0x1] =	wrdreg $0xFFFFFFFF  }
0xc2: {  	_ =	task.clear_ibuf [dreg:s7], $0x2FFFF;
	_ =	strace $0x9FFFFFFF  }
0xc3: {  	(tm) =	ssettm $0x7FFFFFFF  }
tec
execute0_lowered:
.L_overlay_start_1:
0x0: {  	(tag) =	ssettag $0x1  }
0x1: {  	s6 =	rddreg [dreg:$0x0]  }
0x2: {  	s2 =	rddreg [dreg:$0x1]  }
0x3: {  	s0 =	srdreg.scid;
	s3 =	rddreg [dreg:$0x2]  }
0x4: {  	s4 =	simm.s32 $0x0;
	s13 =	simm.s32 $0x80;
	s7 =	sand.u32 $0x1, s0  }
0x5: {  	s14 =	simm.s32 $0x5000;
	s0 =	stileid.u32;
	s9 =	smul.u32 $0x27800, s7  }
0x6: {  	[smem:$0x7FF] =	sst s4;
	s1 =	sshll.u32 s7, $0x4;
	s10 =	smul.u32 $0x4F000, s0  }
0x7: {  	s31 =	ssub.s32 $0x2, s7;
	s11 =	sshll.u32 s0, $0x6;
	s16 =	smul.u32 $0x2780, s0  }
0x8: {  	s5 =	sor.u32 s0, s1;
	s1 =	rddreg [dreg:$0x3];
	_ =	strace $0x8000004D  }
0x9: {  	s7 =	sshrl.u32 s31, $0x1;
	s8 =	smul.u32 $0x500, s5;
	s5 =	sadd.s32 $0xEE00, s6  }
0xa: {  	s9 =	sadd.s32 s9, s6;
	s10 =	sshrl.u32 s10, $0x2;
	s12 =	ssub.s32 s31, s7  }
0xb: {  	s10 =	sadd.s32 s10, s3;
	s15 =	sadd.s32 $0x68600, s9;
	s9 =	smax.u32 s12, $0x1  }
0xc: {  	s12 =	simm.s32 $0x2800;
	s8 =	sadd.s32 s8, s6;
	s6 =	sor.u32 $0x1C01, s11  }
0xd: {  	s10 =	sshrl.u32 s10, $0x3;
	s11 =	simm.s32 $0x1;
	s15 =	sadd.s32 s16, s15  }
0xe: {  	s16 =	simm.s32 $0x0;
	s7 =	sadd.s32 $0x5E600, s8;
	s8 =	sadd.s32 $0x4E00, s8  }
.LBB2_1:
0xf: {  	[spmem:s10], [sflag:s6] =	dma.local [hbm:s2], $0x2780  }
0x10: {  	_ =	swait.ge [sflag:s11], $0x2780  }
0x11: {  	[sflag:s11] =	ssyncset.done $0x0  }
0x12: {  	[sflag:s11] =	ssyncadd.s32 $0xFFFFD880  }
0x13: {  	[tilespmem:s4], [sflag:$0x1] =	stream.linear.gather [hbm4b:s7+s4], $0x2780, $0x38;
	[tilespmem:$0x1CC00] =	vst v63  }
0x14: {  	_ =	swait.ge [sflag:s11], $0x2780  }
0x15: {  	[sflag:s11] =	ssyncset.done $0x0  }
0x16: {  	[sflag:s11] =	ssyncadd.s32 $0xFFFFD880  }
0x17: {  	[tilespmem:s12], [sflag:$0x1] =	stream.linear.gather [hbm4b:s8+s4], $0x2780, $0x38;
	[tilespmem:$0x1CC00] =	vst v63  }
0x18: {  	_ =	swait.ge [sflag:s11], $0x2780  }
0x19: {  	[sflag:s11] =	ssyncset.done $0x0  }
0x1a: {  	[sflag:s11] =	ssyncadd.s32 $0xFFFFD880  }
0x1b: {  	s17 =	simm.s32 $0x0;
	[bflag:$0x0] =	sbarrier.arrive $0xFFFF  }
0x1c: {  	[tilespmem:s14], [sflag:$0x1] =	stream.indirect.gather [hbm4b:s5+s13], $0x80, s17, s13, $0xb8;
	[tilespmem:$0x1CC00] =	vst v63  }
0x1d: {  	_ =	swait.ge [sflag:s11], $0x4000  }
0x1e: {  	[sflag:s11] =	ssyncset.done $0x0  }
0x1f: {  	s31 =	simm.s32 $0x2800;
	[sflag:s11] =	ssyncadd.s32 $0xFFFFC000  }
0x20: {  	[spmem:s3] =	stream.indirect.scatter.add.f32 [tilespmem:s14], [sflag:$0x1], $0x80, s31, s13, $0xb8;
	[tilespmem:$0x1CC00] =	vst v63  }
0x21: {  	_ =	swait.ge [sflag:s11], $0x4000  }
0x22: {  	s18 =	simm.s32 $0x400;
	s17 =	simm.s32 $0x200;
	[sflag:s11] =	ssyncset.done $0x0  }
.LBB2_2:
0x23: {  	s19 =	sshra.s32 s17, $0x2  }
0x24: {  	[sflag:s11] =	ssyncadd.s32 $0xFFFFC000;
	s17 =	smov.u32 s18;
	s20 =	sadd.s32 $0x200, s18  }
0x25: {  	[tilespmem:s14], [sflag:$0x1] =	stream.indirect.gather [hbm4b:s5+s13], $0x80, s19, s13, $0xb8;
	[tilespmem:$0x1CC00] =	vst v63  }
0x26: {  	p0 =	sne.s32 s18, $0x9C00;
	_ =	swait.ge [sflag:s11], $0x4000  }
.Ltmp0:
0x27: {  	[sflag:s11] =	ssyncset.done $0x0;
	(pc) =	sbr.rel @p0 .LBB2_2-.Ltmp0, $4  }
0x28: {  	s18 =	sadd.s32 $0x2800, s19;
	[sflag:s11] =	ssyncadd.s32 $0xFFFFC000  }
0x29: {  	[spmem:s3] =	stream.indirect.scatter.add.f32 [tilespmem:s14], [sflag:$0x1], $0x80, s18, s13, $0xb8;
	[tilespmem:$0x1CC00] =	vst v63  }
0x2a: {  	_ =	swait.ge [sflag:s11], $0x4000  }
0x2b: {  	s18 =	smov.u32 s20;
	[sflag:s11] =	ssyncset.done $0x0  }
0x2c: {  	s17 =	sshra.s32 s17, $0x2;
	[sflag:s11] =	ssyncadd.s32 $0xFFFFC000  }
0x2d: {  	[tilespmem:s14], [sflag:$0x1] =	stream.indirect.gather [hbm4b:s5+s13], $0x80, s17, s13, $0xb8;
	[tilespmem:$0x1CC00] =	vst v63  }
0x2e: {  	_ =	swait.ge [sflag:s11], $0x4000  }
0x2f: {  	[sflag:s11] =	ssyncset.done $0x0  }
0x30: {  	s17 =	sadd.s32 $0x2800, s17;
	[sflag:s11] =	ssyncadd.s32 $0xFFFFC000  }
0x31: {  	[spmem:s3] =	stream.indirect.scatter.add.f32 [tilespmem:s14], [sflag:$0x1], $0x80, s17, s13, $0xb8;
	[tilespmem:$0x1CC00] =	vst v63  }
0x32: {  	_ =	swait.ge [sflag:s11], $0x4000  }
0x33: {  	s16 =	sadd.s32 $0x1, s16;
	[sflag:s11] =	ssyncset.done $0x0  }
0x34: {  	p0 =	sne.s32 s16, s9;
	[sflag:s11] =	ssyncadd.s32 $0xFFFFC000  }
.Ltmp1:
0x35: {  	[bflag:$0x0] =	sbarrier.arrive $0xFFFF;
	(pc) =	sbr.rel @p0 .LBB2_1-.Ltmp1, $4  }
0x36: {  	[hbm:s15], [sflag:s6] =	dma.local [spmem:s10], $0x2780  }
0x37: {  	_ =	swait.ge [sflag:s11], $0x2780  }
0x38: {  	[sflag:s11] =	ssyncset.done $0x0  }
0x39: {  	[sflag:s11] =	ssyncadd.s32 $0xFFFFD880  }
0x3a: {  	_ =	sfence.sel $0x180000  }
0x3b: {  	[bflag:$0x0] =	sbarrier.arrive $0xFFFF  }
0x3c: {  	p0 =	sne.s32 s0, $0x0;
	_ =	strace $0x9000004D  }
0x3d: {  	s0 =	sadd.s32 @!p0 $0x100000, s1;
	[bflag:$0x2] =	sbarrier.arrive $0xFFFF  }
0x3e: {  	[sflag:s0] =	ssyncadd.tile.s32 @!p0 $0x1;
	_ =	shalt  }
.Lfunc_end2:
_tile_overlayer_lowered:
.L_overlay_start_2:
0x3f: {  	(tag) =	ssettag $0x2  }
0x40: {  	s0 =	rddreg [dreg:$0x0];
	s2 =	stileid.u32  }
0x41: {  	s1 =	rddreg [dreg:$0x1];
	p0 =	sne.s32 s2, $0x0  }
0x42: {  	s3 =	rddreg [dreg:$0x2];
	[bflag:$0x3] =	sbarrier.arrive $0xFFFF;
	s2 =	simm.s32 @!p0 $0x1C01  }
0x43: {  	[timem:s3], [sflag:s2] =	dma.local @!p0 [hbm:s0], s1  }
0x44: {  	s0 =	simm.s32 @!p0 $0x1  }
0x45: {  	_ =	swait.ge @!p0 [sflag:s0], s1  }
0x46: {  	s1 =	ssub.s32 @!p0 $0x0, s1;
	[sflag:s0] =	ssyncset.done @!p0 $0x0  }
0x47: {  	[sflag:s0] =	ssyncadd.s32 @!p0 s1  }
0x48: {  	[bflag:$0x3] =	sbarrier.arrive $0xFFFF  }
0x49: {  	_ =	shalt  }

// kernel: kernel.19.cloned.1.call-start
scs
__scs_entry_jumppad:
0x0: {  	(pc) =	sbr.rel $0x88, $3  }
0x1: {  	(tag) =	ssettag $0x0;
	lr =	simm.s32 $0x1  }
0x2: {  	[smem:$0x3F96] =	sst lr;
	_ =	strace $0xD0000000  }
0x3: {  	_ = 	snop  }
0x4: {  	_ = 	snop  }
0x5: {  	_ = 	snop  }
0x6: {  	_ = 	snop  }
0x7: {  	_ = 	snop  }
__scs_overlays_trampoline_lowered:
0x8: {  	[smem:$0x3FA5] =	sst s0  }
0x9: {  	[smem:$0x3FA6] =	sst s1  }
0xa: {  	[smem:$0x3FA7] =	sst s2  }
0xb: {  	[smem:$0x3FA8] =	sst s3  }
0xc: {  	[smem:$0x3FA9] =	sst s4  }
0xd: {  	[smem:$0x3FAA] =	sst s5  }
0xe: {  	[smem:$0x3FAB] =	sst s6  }
0xf: {  	[smem:$0x3FAC] =	sst s7  }
0x10: {  	[smem:$0x3FAD] =	sst s8  }
0x11: {  	[smem:$0x3FAE] =	sst s9;
	s0 =	simm.s32 @!p0 $0x0  }
0x12: {  	s1 =	sld [smem:$0x3F94];
	s0 =	simm.s32 @p0 $0x1  }
0x13: {  	[smem:$0x3FAF] =	sst s0;
	s0 =	simm.s32 @!p1 $0x0  }
0x14: {  	s2 =	sld [smem:$0x3F93];
	s0 =	simm.s32 @p1 $0x1  }
0x15: {  	[smem:$0x3FB0] =	sst s0;
	s0 =	simm.s32 @!p2 $0x0  }
0x16: {  	s3 =	sld [smem:$0x3FDB];
	s0 =	simm.s32 @p2 $0x1  }
0x17: {  	s4 =	simm.s32 $0x1BF5;
	[smem:$0x3FB2] =	sst s0  }
0x18: {  	s0 =	sld [smem:$0x3F95];
	_ =	swait.ge [sflag:s4], $0x0  }
0x19: {  	s7 =	sld [smem:$0x3F96]  }
0x1a: {  	s8 =	sadd.s32 $0xFFFFE003, lr  }
0x1b: {  	s9 =	sadd.s32 $0xFFFFFEF7, lr;
	s5 =	simm.s32 $0xFFFFFFFF;
	p2 =	slt.u32 s8, $0xFFFFF086  }
0x1c: {  	p1 =	slt.u32 s9, $0xF7A;
	s5 =	simm.s32 @!p2 $0x0  }
0x1d: {  	s5 =	simm.s32 @p1 $0x1;
	p0 =	seq.s32 s7, s2  }
0x1e: {  	s7 =	smul.u32 @!p0 $0xF7A, s2;
	p2 =	seq.s32 @!p0 s5, $0x0  }
0x1f: {  	s9 =	smul.u32 $0xF7A, s1;
	s8 =	simm.s32 @!p0 $0x1BF5;
	p2 =	por !p2, p0  }
0x20: {  	[sflag:s8] =	ssyncset.s32 @!p0 $0xFFFFF086;
	s6 =	sadd.s32 @!p0 s3, s7;
	s7 =	simm.s32 @!p0 $0x108  }
0x21: {  	s3 =	sadd.s32 s3, s9;
	s6 =	sadd.s32 @!p0 $0x88, s6;
	s7 =	simm.s32 @p2 $0x1082  }
0x22: {  	[simem:s7], [sflag:s8] =	dma.local @!p0 [hbm:s6], $0xF7A  }
0x23: {  	s9 =	sor.u32 $0xD0000000, s2;
	s6 =	simm.s32 $0x108;
	_ =	swait.ge @!p0 [sflag:s8], $0x0  }
0x24: {  	s3 =	sadd.s32 $0x88, s3;
	s6 =	simm.s32 @!p1 $0x1082;
	[sflag:s4] =	ssyncset.s32 $0xFFFFF086  }
0x25: {  	[simem:s6], [sflag:s4] =	dma.local [hbm:s3], $0xF7A  }
0x26: {  	[smem:$0x3F96] =	sst s1;
	(tag) =	ssettag s2;
	_ =	strace s9  }
0x27: {  	s1 =	sld [smem:$0x3FA6]  }
0x28: {  	s2 =	sld [smem:$0x3FA7]  }
0x29: {  	s4 =	sld [smem:$0x3FA9]  }
0x2a: {  	p0 =	seq.s32 s5, $0x0;
	s5 =	sld [smem:$0x3FAA]  }
0x2b: {  	s6 =	sld [smem:$0x3FAB]  }
0x2c: {  	s7 =	sld [smem:$0x3FAC]  }
0x2d: {  	s3 =	simm.s32 $0x108;
	s8 =	sld [smem:$0x3FAD]  }
0x2e: {  	s3 =	simm.s32 @!p0 $0x1082;
	s9 =	sld [smem:$0x3FAE]  }
0x2f: {  	lr =	sadd.s32 s0, s3;
	s0 =	sld [smem:$0x3FA5]  }
0x30: {  	s3 =	sld [smem:$0x3FA8]  }
0x31: {  	[smem:$0x3FB1] =	sst s10  }
0x32: {  	s10 =	sld [smem:$0x3FAF];
	_ =	sdelay $0x3  }
0x33: {  	p0 =	seq.s32 s10, $0x1;
	s10 =	sld [smem:$0x3FB1];
	_ =	sdelay $0x3  }
0x34: {  	[smem:$0x3FB1] =	sst s10  }
0x35: {  	s10 =	sld [smem:$0x3FB0];
	_ =	sdelay $0x3  }
0x36: {  	p1 =	seq.s32 s10, $0x1;
	s10 =	sld [smem:$0x3FB1];
	_ =	sdelay $0x3  }
0x37: {  	[smem:$0x3FB1] =	sst s10  }
0x38: {  	s10 =	sld [smem:$0x3FB2]  }
0x39: {  	_ = 	snop;
	(pc) =	sbr.ind lr, $3  }
0x3a: {  	_ = 	snop  }
0x3b: {  	_ = 	snop  }
0x3c: {  	p2 =	seq.s32 s10, $0x1;
	s10 =	sld [smem:$0x3FB1]  }
0x3d: {  	_ =	shalt  }
0x3e: {  	_ =	shalt  }
0x3f: {  	_ =	shalt  }
0x40: {  	_ =	shalt  }
0x41: {  	_ =	shalt  }
0x42: {  	_ =	shalt  }
0x43: {  	_ =	shalt  }
0x44: {  	_ =	shalt  }
0x45: {  	_ =	shalt  }
0x46: {  	_ =	shalt  }
0x47: {  	_ =	shalt  }
0x48: {  	_ =	shalt  }
0x49: {  	_ =	shalt  }
0x4a: {  	_ =	shalt  }
0x4b: {  	_ =	shalt  }
0x4c: {  	_ =	shalt  }
0x4d: {  	_ =	shalt  }
0x4e: {  	_ =	shalt  }
0x4f: {  	_ =	shalt  }
0x50: {  	_ =	shalt  }
0x51: {  	_ =	shalt  }
0x52: {  	_ =	shalt  }
0x53: {  	_ =	shalt  }
0x54: {  	_ =	shalt  }
0x55: {  	_ =	shalt  }
0x56: {  	_ =	shalt  }
0x57: {  	_ =	shalt  }
0x58: {  	_ =	shalt  }
0x59: {  	_ =	shalt  }
0x5a: {  	_ =	shalt  }
0x5b: {  	_ =	shalt  }
0x5c: {  	_ =	shalt  }
0x5d: {  	_ =	shalt  }
0x5e: {  	_ =	shalt  }
0x5f: {  	_ =	shalt  }
0x60: {  	_ =	shalt  }
0x61: {  	_ =	shalt  }
0x62: {  	_ =	shalt  }
0x63: {  	_ =	shalt  }
0x64: {  	_ =	shalt  }
0x65: {  	_ =	shalt  }
0x66: {  	_ =	shalt  }
0x67: {  	_ =	shalt  }
0x68: {  	_ =	shalt  }
0x69: {  	_ =	shalt  }
0x6a: {  	_ =	shalt  }
0x6b: {  	_ =	shalt  }
0x6c: {  	_ =	shalt  }
0x6d: {  	_ =	shalt  }
0x6e: {  	_ =	shalt  }
0x6f: {  	_ =	shalt  }
0x70: {  	_ =	shalt  }
0x71: {  	_ =	shalt  }
0x72: {  	_ =	shalt  }
0x73: {  	_ =	shalt  }
0x74: {  	_ =	shalt  }
0x75: {  	_ =	shalt  }
0x76: {  	_ =	shalt  }
0x77: {  	_ =	shalt  }
0x78: {  	_ =	shalt  }
0x79: {  	_ =	shalt  }
0x7a: {  	_ =	shalt  }
0x7b: {  	_ =	shalt  }
0x7c: {  	_ =	shalt  }
0x7d: {  	_ =	shalt  }
0x7e: {  	_ =	shalt  }
0x7f: {  	_ =	shalt  }
0x80: {  	_ =	shalt  }
0x81: {  	_ =	shalt  }
0x82: {  	_ =	shalt  }
0x83: {  	_ =	shalt  }
0x84: {  	_ =	shalt  }
0x85: {  	_ =	shalt  }
0x86: {  	_ =	shalt  }
0x87: {  	_ =	shalt  }
.Lfunc_end0:
.L_simem_size_0:
called_computation.3_lowered:
.L_overlay_start_0:
0x88: {  	s2 =	sld [smem:$0x3FD9]  }
0x89: {  	s3 =	sld [smem:$0x3FFE];
	_ =	sdelay $0x1  }
0x8a: {  	s1 =	srdreg.scid  }
0x8b: {  	s0 =	sand.u32 $0x1, s1  }
0x8c: {  	s16 =	sshll.u32 s0, $0xA;
	s2 =	sadd.s32 s3, s2  }
0x8d: {  	s2 =	sadd.s32 s2, s16  }
0x8e: {  	[smem:$0x3FBD] =	sst s2  }
0x8f: {  	_ = 	snop  }
0x90: {  	(tm) =	ssettm $0x1  }
0x91: {  	s17 =	sld [smem:$0x3FFB];
	_ =	sdelay $0x3  }
0x92: {  	_ =	strace s17  }
0x93: {  	s2 =	sld [smem:$0x3FFC];
	_ =	sdelay $0x3  }
0x94: {  	_ =	strace s2  }
0x95: {  	s2 =	sld [smem:$0x3FFD];
	_ =	sdelay $0x3  }
0x96: {  	_ =	strace s2  }
0x97: {  	_ =	strace $0x8FFFFFFF  }
0x98: {  	s18 =	sld [smem:$0x3FDB];
	_ =	sdelay $0x1  }
0x99: {  	s19 =	simm.s32 $_scs_section_size  }
0x9a: {  	s4 =	simm.s32 $_size__tile_overlayer_lowered;
	s5 =	simm.s32 $_tile_overlayer_lowered  }
0x9b: {  	s22 =	simm.s32 $0x1BFF;
	s21 =	sshll.u32 s5, $0x1;
	s2 =	sadd.s32 s19, s18  }
0x9c: {  	s6 =	simm.s32 $0x0;
	s20 =	sshll.u32 s4, $0x1;
	s4 =	sadd.s32 s21, s2  }
0x9d: {  	[timem:s6], [sflag:s22] =	dma.local [hbm:s4], s20  }
0x9e: {  	_ =	swait.ge [sflag:s22], s20  }
0x9f: {  	s3 =	ssub.s32 $0x0, s20;
	[sflag:s22] =	ssyncset.done $0x0  }
0xa0: {  	[sflag:s22] =	ssyncadd.s32 s3;
	_ =	sdelay $0x1  }
0xa1: {  	s23 =	simm.s32 $0x1B8B  }
0xa2: {  	_ =	swait.ge [sflag:s23], $0x1  }
0xa3: {  	[sflag:s23] =	ssyncset.done $0x0  }
0xa4: {  	s25 =	simm.s32 $0x1B8E;
	s24 =	sld [smem:$0x3FFE];
	[sflag:s23] =	ssyncadd.s32 $0xFFFFFFFF  }
0xa5: {  	s26 =	simm.s32 $execute0_lowered;
	[smem:$0x3FD2] =	sst s25  }
0xa6: {  	s4 =	sshll.u32 s26, $0x1;
	_ =	strace $0x8000004F;
	[dreg:$0x1] =	wrdreg $0xFFFFFFFF  }
0xa7: {  	s28 =	simm.s32 $_size_execute0_lowered;
	s2 =	sadd.s32 s2, s4;
	[dreg:$0x0] =	wrdreg $0x0  }
0xa8: {  	s4 =	sshll.u32 s28, $0x1;
	[dreg:$0x2] =	wrdreg s2  }
0xa9: {  	[dreg:$0x3] =	wrdreg s4  }
0xaa: {  	[dreg:$0x4] =	wrdreg $0xC0  }
0xab: {  	_ =	task [dreg:s6], $0x5FFFF  }
0xac: {  	[dreg:$0x1] =	wrdreg $0xFFFFFFFF  }
0xad: {  	[dreg:$0x0] =	wrdreg $0x60  }
0xae: {  	[dreg:$0x2] =	wrdreg s24  }
0xaf: {  	[dreg:$0x3] =	wrdreg $0x9  }
0xb0: {  	_ =	task.clear_ibuf [dreg:s6], $0x4FFFF;
	_ =	strace $0x9000004F  }
0xb1: {  	s29 =	simm.s32 $0x9;
	_ =	strace $0x80000051  }
0xb2: {  	_ =	swait.ge [sflag:s29], $0x1  }
0xb3: {  	[sflag:s29] =	ssyncadd.s32 $0xFFFFFFFF  }
0xb4: {  	_ =	strace $0x90000051  }
0xb5: {  	_ =	sfence  }
0xb6: {  	s30 =	sld [smem:$0x0];
	_ =	sdelay $0x2  }
0xb7: {  	s31 =	sshll.u32 s1, $0xD;
	s1 =	sshrl.u32 s1, $0x2  }
0xb8: {  	s3 =	sand.u32 $0x4000, s31;
	s1 =	sadd.s32 s1, s30  }
0xb9: {  	s0 =	sor.u32 s3, s0;
	s1 =	sshll.u32 s1, $0x11  }
0xba: {  	s0 =	sor.u32 s1, s0  }
0xbb: {  	s0 =	sadd.s32 $0x8F2B, s0  }
0xbc: {  	[sflag:s0] =	ssyncadd.remote.s32 $0x1  }
0xbd: {  	_ =	sfence.sel $0xFFFF  }
0xbe: {  	[dreg:$0x0] =	wrdreg $0xFFFFFFFF;
	(pc) =	sbr.abs _section_cstart, $3  }
0xbf: {  	[dreg:$0x1] =	wrdreg $0xFFFFFFFF  }
0xc0: {  	_ =	task.clear_ibuf [dreg:s6], $0x2FFFF;
	_ =	strace $0x9FFFFFFF  }
0xc1: {  	(tm) =	ssettm $0x7FFFFFFF  }
tec
execute0_lowered:
.L_overlay_start_1:
0x0: {  	(tag) =	ssettag $0x1  }
0x1: {  	s0 =	srdreg.scid  }
0x2: {  	s6 =	rddreg [dreg:$0x0];
	s1 =	stileid.u32;
	s2 =	simm.s32 $0x0  }
0x3: {  	s10 =	simm.s32 $0x3;
	s11 =	simm.s32 $0x2800;
	s12 =	simm.s32 $0x80  }
0x4: {  	s13 =	simm.s32 $0x5000;
	s14 =	simm.s32 $0x9000;
	s15 =	simm.s32 $0x1  }
0x5: {  	s16 =	simm.s32 $0x2;
	s17 =	simm.s32 $0x0;
	s5 =	sand.u32 $0x1, s0  }
0x6: {  	s0 =	rddreg [dreg:$0x1];
	s9 =	smul.u32 $0x27800, s1;
	s3 =	sshll.u32 s5, $0x4  }
0x7: {  	[smem:$0x7FF] =	sst s2;
	s8 =	smul.u32 $0x278000, s5;
	s3 =	sor.u32 s1, s3  }
0x8: {  	s4 =	sadd.s32 $0x68600, s6;
	s5 =	ssub.s32 $0x2, s5;
	s7 =	smul.u32 $0x500, s3  }
0x9: {  	_ =	strace $0x80000050;
	s31 =	sshrl.u32 s5, $0x1;
	s3 =	sadd.s32 $0x4E00, s6  }
0xa: {  	s7 =	sadd.s32 s7, s6;
	s6 =	sadd.s32 s8, s6;
	s8 =	ssub.s32 s5, s31  }
0xb: {  	s5 =	sadd.s32 $0x5E600, s7;
	s9 =	sadd.s32 s9, s6;
	s6 =	sadd.s32 $0x36000, s7  }
0xc: {  	s7 =	smax.u32 s8, $0x1;
	s8 =	sadd.s32 $0x8F800, s9;
	s9 =	sadd.s32 $0x57F800, s9  }
.LBB2_1:
0xd: {  	[tilespmem:s2], [sflag:$0x3] =	stream.linear.gather [hbm4b:s5+s2], $0x2780, $0x38;
	[tilespmem:$0xD000] =	vst v63  }
0xe: {  	_ =	swait.ge [sflag:s10], $0x2780  }
0xf: {  	[sflag:s10] =	ssyncset.done $0x0  }
0x10: {  	[sflag:s10] =	ssyncadd.s32 $0xFFFFD880  }
0x11: {  	[tilespmem:s11], [sflag:$0x3] =	stream.linear.gather [hbm4b:s6+s2], $0x2780, $0x38;
	[tilespmem:$0xD000] =	vst v63  }
0x12: {  	_ =	swait.ge [sflag:s10], $0x2780  }
0x13: {  	[sflag:s10] =	ssyncset.done $0x0  }
0x14: {  	s18 =	simm.s32 $0x0;
	[sflag:s10] =	ssyncadd.s32 $0xFFFFD880  }
0x15: {  	[tilespmem:s13], [sflag:$0x1] =	stream.indirect.gather [hbm4b:s3+s12], $0x80, s18, s12, $0xb8;
	[tilespmem:$0xD000] =	vst v63  }
0x16: {  	s31 =	simm.s32 $0x2800  }
0x17: {  	[tilespmem:s14], [sflag:$0x2] =	stream.indirect.gather [hbm4b:s4+s12], $0x80, s31, s12, $0xb8;
	[tilespmem:$0xD000] =	vst v63  }
0x18: {  	_ =	swait.ge [sflag:s15], $0x4000  }
0x19: {  	[sflag:s15] =	ssyncset.done $0x0  }
0x1a: {  	[sflag:s15] =	ssyncadd.s32 $0xFFFFC000  }
0x1b: {  	_ =	swait.ge [sflag:s16], $0x4000  }
0x1c: {  	[sflag:s16] =	ssyncset.done $0x0  }
0x1d: {  	[sflag:s16] =	ssyncadd.s32 $0xFFFFC000  }
0x1e: {  	[hbm4b:s8+s2] =	stream.linear.scatter [tilespmem:s13], [sflag:$0x3], $0x4000, $0x38;
	[tilespmem:$0xD000] =	vst v63  }
0x1f: {  	_ =	swait.ge [sflag:s10], $0x4000  }
0x20: {  	[sflag:s10] =	ssyncset.done $0x0  }
0x21: {  	[sflag:s10] =	ssyncadd.s32 $0xFFFFC000  }
0x22: {  	[hbm4b:s9+s2] =	stream.linear.scatter [tilespmem:s14], [sflag:$0x3], $0x4000, $0x38;
	[tilespmem:$0xD000] =	vst v63  }
0x23: {  	s20 =	simm.s32 $0x200;
	s21 =	simm.s32 $0x400;
	_ =	swait.ge [sflag:s10], $0x4000  }
0x24: {  	s19 =	sadd.s32 $0x800, s8;
	s18 =	sadd.s32 $0x800, s9;
	[sflag:s10] =	ssyncset.done $0x0  }
.LBB2_2:
0x25: {  	s22 =	sshra.s32 s20, $0x2  }
0x26: {  	[sflag:s10] =	ssyncadd.s32 $0xFFFFC000;
	s20 =	smov.u32 s21;
	s23 =	sadd.s32 $0x200, s21  }
0x27: {  	[tilespmem:s13], [sflag:$0x1] =	stream.indirect.gather [hbm4b:s3+s12], $0x80, s22, s12, $0xb8;
	[tilespmem:$0xD000] =	vst v63  }
0x28: {  	p0 =	sne.s32 s21, $0x9C00;
	s21 =	sadd.s32 $0x2800, s22  }
0x29: {  	[tilespmem:s14], [sflag:$0x2] =	stream.indirect.gather [hbm4b:s4+s12], $0x80, s21, s12, $0xb8;
	[tilespmem:$0xD000] =	vst v63  }
0x2a: {  	_ =	swait.ge [sflag:s15], $0x4000  }
0x2b: {  	[sflag:s15] =	ssyncset.done $0x0  }
0x2c: {  	[sflag:s15] =	ssyncadd.s32 $0xFFFFC000  }
0x2d: {  	_ =	swait.ge [sflag:s16], $0x4000  }
0x2e: {  	[sflag:s16] =	ssyncset.done $0x0  }
0x2f: {  	[sflag:s16] =	ssyncadd.s32 $0xFFFFC000  }
0x30: {  	[hbm4b:s19+s2] =	stream.linear.scatter [tilespmem:s13], [sflag:$0x3], $0x4000, $0x38;
	[tilespmem:$0xD000] =	vst v63  }
0x31: {  	_ =	swait.ge [sflag:s10], $0x4000  }
.Ltmp0:
0x32: {  	[sflag:s10] =	ssyncset.done $0x0;
	(pc) =	sbr.rel @p0 .LBB2_2-.Ltmp0, $4  }
0x33: {  	[sflag:s10] =	ssyncadd.s32 $0xFFFFC000  }
0x34: {  	[hbm4b:s18+s2] =	stream.linear.scatter [tilespmem:s14], [sflag:$0x3], $0x4000, $0x38;
	[tilespmem:$0xD000] =	vst v63  }
0x35: {  	s21 =	smov.u32 s23;
	_ =	swait.ge [sflag:s10], $0x4000  }
0x36: {  	s19 =	sadd.s32 $0x800, s19;
	s18 =	sadd.s32 $0x800, s18;
	[sflag:s10] =	ssyncset.done $0x0  }
0x37: {  	s20 =	sshra.s32 s20, $0x2;
	[sflag:s10] =	ssyncadd.s32 $0xFFFFC000  }
0x38: {  	[tilespmem:s13], [sflag:$0x1] =	stream.indirect.gather [hbm4b:s3+s12], $0x80, s20, s12, $0xb8;
	[tilespmem:$0xD000] =	vst v63  }
0x39: {  	s20 =	sadd.s32 $0x2800, s20  }
0x3a: {  	[tilespmem:s14], [sflag:$0x2] =	stream.indirect.gather [hbm4b:s4+s12], $0x80, s20, s12, $0xb8;
	[tilespmem:$0xD000] =	vst v63  }
0x3b: {  	_ =	swait.ge [sflag:s15], $0x4000  }
0x3c: {  	[sflag:s15] =	ssyncset.done $0x0  }
0x3d: {  	[sflag:s15] =	ssyncadd.s32 $0xFFFFC000  }
0x3e: {  	_ =	swait.ge [sflag:s16], $0x4000  }
0x3f: {  	[sflag:s16] =	ssyncset.done $0x0  }
0x40: {  	[sflag:s16] =	ssyncadd.s32 $0xFFFFC000  }
0x41: {  	[hbm4b:s19+s2] =	stream.linear.scatter [tilespmem:s13], [sflag:$0x3], $0x4000, $0x38;
	[tilespmem:$0xD000] =	vst v63  }
0x42: {  	s17 =	sadd.s32 $0x1, s17;
	_ =	swait.ge [sflag:s10], $0x4000  }
0x43: {  	p0 =	sne.s32 s17, s7;
	[sflag:s10] =	ssyncset.done $0x0  }
.Ltmp1:
0x44: {  	[sflag:s10] =	ssyncadd.s32 $0xFFFFC000;
	(pc) =	sbr.rel @p0 .LBB2_1-.Ltmp1, $4  }
0x45: {  	[hbm4b:s18+s2] =	stream.linear.scatter [tilespmem:s14], [sflag:$0x3], $0x4000, $0x38;
	[tilespmem:$0xD000] =	vst v63  }
0x46: {  	_ =	swait.ge [sflag:s10], $0x4000  }
0x47: {  	[sflag:s10] =	ssyncset.done $0x0  }
0x48: {  	[sflag:s10] =	ssyncadd.s32 $0xFFFFC000  }
0x49: {  	_ =	sfence.sel $0x180000  }
0x4a: {  	[bflag:$0x0] =	sbarrier.arrive $0xFFFF  }
0x4b: {  	p0 =	sne.s32 s1, $0x0;
	_ =	strace $0x90000050  }
0x4c: {  	s0 =	sadd.s32 @!p0 $0x100000, s0;
	[bflag:$0x2] =	sbarrier.arrive $0xFFFF  }
0x4d: {  	[sflag:s0] =	ssyncadd.tile.s32 @!p0 $0x1;
	_ =	shalt  }
.Lfunc_end2:
_tile_overlayer_lowered:
.L_overlay_start_2:
0x4e: {  	(tag) =	ssettag $0x2  }
0x4f: {  	s0 =	rddreg [dreg:$0x0];
	s2 =	stileid.u32  }
0x50: {  	s1 =	rddreg [dreg:$0x1];
	p0 =	sne.s32 s2, $0x0  }
0x51: {  	s3 =	rddreg [dreg:$0x2];
	[bflag:$0x3] =	sbarrier.arrive $0xFFFF;
	s2 =	simm.s32 @!p0 $0x1C03  }
0x52: {  	[timem:s3], [sflag:s2] =	dma.local @!p0 [hbm:s0], s1  }
0x53: {  	s0 =	simm.s32 @!p0 $0x3  }
0x54: {  	_ =	swait.ge @!p0 [sflag:s0], s1  }
0x55: {  	s1 =	ssub.s32 @!p0 $0x0, s1;
	[sflag:s0] =	ssyncset.done @!p0 $0x0  }
0x56: {  	[sflag:s0] =	ssyncadd.s32 @!p0 s1  }
0x57: {  	[bflag:$0x3] =	sbarrier.arrive $0xFFFF  }
0x58: {  	_ =	shalt  }

</sc_bundles>
